<compile_context>
chip_gen: v7x
topology: tpu7x:2x2x1
jax: 0.10.2.dev20260603
libtpu: 0.0.44.dev20260713+nightly
codegen_flags: <defaults>
</compile_context>

<pallas_src>
import jax
import jax.numpy as jnp
from jax import lax
from jax.experimental import pallas as pl
from jax.experimental.pallas import tpu as pltpu
from jax.experimental.pallas import tpu_sc as plsc

CHAR_VOCAB = 1000
EMBED_DIM = 64
BATCH = 1024
MAX_WORDS = 50
MAX_CHARS = 16

PAIRS = EMBED_DIM // 2
NUM_WORDS = BATCH * MAX_WORDS
NUM_WORKERS = 32
WORDS_PER_WORKER = NUM_WORDS // NUM_WORKERS
CHARS_PER_WORKER = WORDS_PER_WORKER * MAX_CHARS
OUT_PER_WORKER = WORDS_PER_WORKER * PAIRS
DGROUPS = PAIRS // 16


def _sc_body(chars_hbm, table_hbm, out_hbm, table_v, chars_v, out_v):
    wid = lax.axis_index("s") * 2 + lax.axis_index("c")

    pltpu.sync_copy(table_hbm, table_v)
    pltpu.sync_copy(chars_hbm.at[pl.ds(wid * CHARS_PER_WORKER, CHARS_PER_WORKER)],
                    chars_v)

    lanes = lax.iota(jnp.int32, 16)
    lanes_g = [lanes + 16 * g for g in range(DGROUPS)]

    @plsc.parallel_loop(0, WORDS_PER_WORKER, unroll=4)
    def word_body(w):
        cvec = chars_v[pl.ds(w * MAX_CHARS, MAX_CHARS)] * PAIRS
        acc = [plsc.bitcast(plsc.load_gather(table_v, [lanes_g[g] + cvec[0]]),
                            jnp.bfloat16)
               for g in range(DGROUPS)]
        for c in range(1, MAX_CHARS):
            row = cvec[c]
            for g in range(DGROUPS):
                acc[g] = jnp.maximum(
                    acc[g],
                    plsc.bitcast(plsc.load_gather(table_v, [lanes_g[g] + row]),
                                 jnp.bfloat16))
        ob = w * PAIRS
        for g in range(DGROUPS):
            plsc.store_scatter(out_v, [lanes_g[g] + ob],
                               plsc.bitcast(acc[g], jnp.int32))

    pltpu.sync_copy(out_v, out_hbm.at[pl.ds(wid * OUT_PER_WORKER,
                                            OUT_PER_WORKER)])


def kernel(chars, table):
    chars_flat = chars.reshape(-1)
    table_packed = jax.lax.bitcast_convert_type(
        table.astype(jnp.bfloat16).reshape(CHAR_VOCAB, PAIRS, 2),
        jnp.int32).reshape(-1)
    out_packed = pl.kernel(
        _sc_body,
        out_type=jax.ShapeDtypeStruct((NUM_WORDS * PAIRS,), jnp.int32),
        mesh=plsc.VectorSubcoreMesh(core_axis_name="c", subcore_axis_name="s"),
        compiler_params=pltpu.CompilerParams(needs_layout_passes=False),
        scratch_types=[
            pltpu.VMEM((CHAR_VOCAB * PAIRS,), jnp.int32),
            pltpu.VMEM((CHARS_PER_WORKER,), jnp.int32),
            pltpu.VMEM((OUT_PER_WORKER,), jnp.int32),
        ],
    )(chars_flat, table_packed)
    out_bf16 = jax.lax.bitcast_convert_type(
        out_packed.reshape(NUM_WORDS, PAIRS), jnp.bfloat16)
    return out_bf16.astype(jnp.float32).reshape(BATCH, MAX_WORDS, EMBED_DIM)

# --- scband reference (transcript-rebuilt; emitter-appended) ---
"""Pipeline reference for scband-pooling-char-embeddor-9096740733627 (READ-ONLY COPY).

The authoritative reference and input builder live on the scoring server;
editing this copy changes nothing except your own understanding.
"""

import jax, jax.numpy as jnp
import numpy as np

CHAR_VOCAB = 1000
EMBED_DIM = 64
BATCH = 1024
MAX_WORDS = 50
MAX_CHARS = 16


def setup_inputs(seed: int = 0) -> dict:
    key = jax.random.key(seed)
    k1, k2 = jax.random.split(key)
    chars = jax.random.randint(k1, (BATCH, MAX_WORDS, MAX_CHARS), 0, CHAR_VOCAB, dtype=jnp.int32)
    table = jax.random.normal(k2, (CHAR_VOCAB, EMBED_DIM), dtype=jnp.float32)
    # padding_idx=0 -> row 0 is zeros
    table = table.at[0].set(0.0)
    return {"chars": chars, "table": table}


def reference(chars, table):
    # nn.Embedding lookup: (B, W, C) -> (B, W, C, D)
    embeddings = jnp.take(table, chars, axis=0)
    # max-pool over char axis (dim=2): (B, W, D)
    pooled = jnp.max(embeddings, axis=2)
    return pooled

if __name__ == "__main__":
    import jax
    _d = setup_inputs()
    print(jax.jit(kernel)(*tuple(_d.values())))

</pallas_src>

<mosaic_0001>
#map = affine_map<(d0, d1) -> (0)>
module attributes {stable_mosaic.version = 14 : i64} {
  func.func @_sc_body(%arg0: i32, %arg1: i32, %arg2: memref<819200xi32, #tpu.memory_space<hbm>>, %arg3: memref<32000xi32, #tpu.memory_space<hbm>>, %arg4: memref<1638400xi32, #tpu.memory_space<hbm>>, %arg5: memref<32000xi32, #tpu.memory_space<vmem>>, %arg6: memref<25600xi32, #tpu.memory_space<vmem>>, %arg7: memref<51200xi32, #tpu.memory_space<vmem>>) attributes {dimension_semantics = [#tpu.dimension_semantics<core_parallel>, #tpu.dimension_semantics<subcore_parallel>], iteration_bounds = array<i64: 2, 16>, scalar_prefetch = 0 : i64, scratch_operands = 3 : i64, tpu.core_type = #tpu.core_type<sc_vector_subcore>, window_params = [{transform_indices = #map}, {transform_indices = #map}, {transform_indices = #map}]} {
    %mul3A = arith.constant 2 : i32
    %mul3A_0 = arith.muli %arg1, %mul3A : i32
    %add3A = arith.addi %mul3A_0, %arg0 : i32
    "tpu.region"() ({
      %run_scoped3A = tpu.sem_alloc : memref<!tpu.dma_semaphore, #tpu.memory_space<semaphore_mem>>
      tpu.enqueue_dma source(%arg3 : memref<32000xi32, #tpu.memory_space<hbm>>) target(%arg5 : memref<32000xi32, #tpu.memory_space<vmem>>) target_semaphore(%run_scoped3A : memref<!tpu.dma_semaphore, #tpu.memory_space<semaphore_mem>>)
      tpu.wait_dma2 semaphore(%run_scoped3A : memref<!tpu.dma_semaphore, #tpu.memory_space<semaphore_mem>>) src(%arg3 : memref<32000xi32, #tpu.memory_space<hbm>>) dst(%arg5 : memref<32000xi32, #tpu.memory_space<vmem>>)
      tpu.yield
    }) : () -> ()
    %mul3A_1 = arith.constant 25600 : i32
    %mul3A_2 = arith.muli %add3A, %mul3A_1 : i32
    "tpu.region"() ({
      %run_scoped3A = tpu.sem_alloc : memref<!tpu.dma_semaphore, #tpu.memory_space<semaphore_mem>>
      %dma_start3A = tpu.memref_slice %arg2[%mul3A_2] : memref<819200xi32, #tpu.memory_space<hbm>> -> memref<25600xi32, #tpu.memory_space<hbm>>
      %dma_start3A_13 = tpu.memref_slice %arg2[%mul3A_2] : memref<819200xi32, #tpu.memory_space<hbm>> -> memref<25600xi32, #tpu.memory_space<hbm>>
      tpu.enqueue_dma source(%dma_start3A_13 : memref<25600xi32, #tpu.memory_space<hbm>>) target(%arg6 : memref<25600xi32, #tpu.memory_space<vmem>>) target_semaphore(%run_scoped3A : memref<!tpu.dma_semaphore, #tpu.memory_space<semaphore_mem>>)
      %dma_wait3A = tpu.memref_slice %arg2[%mul3A_2] : memref<819200xi32, #tpu.memory_space<hbm>> -> memref<25600xi32, #tpu.memory_space<hbm>>
      %dma_wait3A_14 = tpu.memref_slice %arg2[%mul3A_2] : memref<819200xi32, #tpu.memory_space<hbm>> -> memref<25600xi32, #tpu.memory_space<hbm>>
      tpu.wait_dma2 semaphore(%run_scoped3A : memref<!tpu.dma_semaphore, #tpu.memory_space<semaphore_mem>>) src(%dma_wait3A_14 : memref<25600xi32, #tpu.memory_space<hbm>>) dst(%arg6 : memref<25600xi32, #tpu.memory_space<vmem>>)
      tpu.yield
    }) : () -> ()
    %iota3A = tpu.iota {dimensions = array<i32: 0>} : vector<16xi32>
    %add3A_3 = arith.constant 0 : i32
    %add3A_4 = vector.broadcast %add3A_3 : i32 to vector<16xi32>
    %add3A_5 = arith.addi %iota3A, %add3A_4 : vector<16xi32>
    %add3A_6 = arith.constant 16 : i32
    %add3A_7 = vector.broadcast %add3A_6 : i32 to vector<16xi32>
    %add3A_8 = arith.addi %iota3A, %add3A_7 : vector<16xi32>
    %parallel_loop3A = arith.constant 0 : i32
    %parallel_loop3A_9 = arith.constant 1600 : i32
    %parallel_loop3A_10 = arith.constant 1 : i32
    scf.for %parallel_loop3A_13 = %parallel_loop3A to %parallel_loop3A_9 step %parallel_loop3A_10  : i32 {
      %parallel_loop3A_14 = arith.constant 16 : i32
      %parallel_loop3A_15 = arith.muli %parallel_loop3A_13, %parallel_loop3A_14 : i32
      %parallel_loop3A_16 = arith.index_cast %parallel_loop3A_15 : i32 to index
      %parallel_loop3A_17 = tpu.vector_load %arg6[%parallel_loop3A_16] {strides = array<i32>} : memref<25600xi32, #tpu.memory_space<vmem>>, vector<16xi32>,
      %parallel_loop3A_18 = arith.constant 32 : i32
      %parallel_loop3A_19 = vector.broadcast %parallel_loop3A_18 : i32 to vector<16xi32>
      %parallel_loop3A_20 = arith.muli %parallel_loop3A_17, %parallel_loop3A_19 : vector<16xi32>
      %parallel_loop3A_21 = vector.extract_strided_slice %parallel_loop3A_20 {offsets = [0], sizes = [1], strides = [1]} : vector<16xi32> to vector<1xi32>
      %parallel_loop3A_22 = vector.extract %parallel_loop3A_21[0] : i32 from vector<1xi32>
      %parallel_loop3A_23 = vector.broadcast %parallel_loop3A_22 : i32 to vector<16xi32>
      %parallel_loop3A_24 = arith.addi %add3A_5, %parallel_loop3A_23 : vector<16xi32>
      %parallel_loop3A_25 = tpu.vector_load_idx %arg5[%parallel_loop3A_24] : memref<32000xi32, #tpu.memory_space<vmem>>[vector<16xi32>], vector<16xi32>,
      %parallel_loop3A_26 = vector.bitcast %parallel_loop3A_25 : vector<16xi32> to vector<32xbf16>
      %parallel_loop3A_27 = vector.extract_strided_slice %parallel_loop3A_20 {offsets = [0], sizes = [1], strides = [1]} : vector<16xi32> to vector<1xi32>
      %parallel_loop3A_28 = vector.extract %parallel_loop3A_27[0] : i32 from vector<1xi32>
      %parallel_loop3A_29 = vector.broadcast %parallel_loop3A_28 : i32 to vector<16xi32>
      %parallel_loop3A_30 = arith.addi %add3A_8, %parallel_loop3A_29 : vector<16xi32>
      %parallel_loop3A_31 = tpu.vector_load_idx %arg5[%parallel_loop3A_30] : memref<32000xi32, #tpu.memory_space<vmem>>[vector<16xi32>], vector<16xi32>,
      %parallel_loop3A_32 = vector.bitcast %parallel_loop3A_31 : vector<16xi32> to vector<32xbf16>
      %parallel_loop3A_33 = vector.extract_strided_slice %parallel_loop3A_20 {offsets = [1], sizes = [1], strides = [1]} : vector<16xi32> to vector<1xi32>
      %parallel_loop3A_34 = vector.extract %parallel_loop3A_33[0] : i32 from vector<1xi32>
      %parallel_loop3A_35 = vector.broadcast %parallel_loop3A_34 : i32 to vector<16xi32>
      %parallel_loop3A_36 = arith.addi %add3A_5, %parallel_loop3A_35 : vector<16xi32>
      %parallel_loop3A_37 = tpu.vector_load_idx %arg5[%parallel_loop3A_36] : memref<32000xi32, #tpu.memory_space<vmem>>[vector<16xi32>], vector<16xi32>,
      %parallel_loop3A_38 = vector.bitcast %parallel_loop3A_37 : vector<16xi32> to vector<32xbf16>
      %parallel_loop3A_39 = arith.maximumf %parallel_loop3A_26, %parallel_loop3A_38 : vector<32xbf16>
      %parallel_loop3A_40 = vector.broadcast %parallel_loop3A_34 : i32 to vector<16xi32>
      %parallel_loop3A_41 = arith.addi %add3A_8, %parallel_loop3A_40 : vector<16xi32>
      %parallel_loop3A_42 = tpu.vector_load_idx %arg5[%parallel_loop3A_41] : memref<32000xi32, #tpu.memory_space<vmem>>[vector<16xi32>], vector<16xi32>,
      %parallel_loop3A_43 = vector.bitcast %parallel_loop3A_42 : vector<16xi32> to vector<32xbf16>
      %parallel_loop3A_44 = arith.maximumf %parallel_loop3A_32, %parallel_loop3A_43 : vector<32xbf16>
      %parallel_loop3A_45 = vector.extract_strided_slice %parallel_loop3A_20 {offsets = [2], sizes = [1], strides = [1]} : vector<16xi32> to vector<1xi32>
      %parallel_loop3A_46 = vector.extract %parallel_loop3A_45[0] : i32 from vector<1xi32>
      %parallel_loop3A_47 = vector.broadcast %parallel_loop3A_46 : i32 to vector<16xi32>
      %parallel_loop3A_48 = arith.addi %add3A_5, %parallel_loop3A_47 : vector<16xi32>
      %parallel_loop3A_49 = tpu.vector_load_idx %arg5[%parallel_loop3A_48] : memref<32000xi32, #tpu.memory_space<vmem>>[vector<16xi32>], vector<16xi32>,
      %parallel_loop3A_50 = vector.bitcast %parallel_loop3A_49 : vector<16xi32> to vector<32xbf16>
      %parallel_loop3A_51 = arith.maximumf %parallel_loop3A_39, %parallel_loop3A_50 : vector<32xbf16>
      %parallel_loop3A_52 = vector.broadcast %parallel_loop3A_46 : i32 to vector<16xi32>
      %parallel_loop3A_53 = arith.addi %add3A_8, %parallel_loop3A_52 : vector<16xi32>
      %parallel_loop3A_54 = tpu.vector_load_idx %arg5[%parallel_loop3A_53] : memref<32000xi32, #tpu.memory_space<vmem>>[vector<16xi32>], vector<16xi32>,
      %parallel_loop3A_55 = vector.bitcast %parallel_loop3A_54 : vector<16xi32> to vector<32xbf16>
      %parallel_loop3A_56 = arith.maximumf %parallel_loop3A_44, %parallel_loop3A_55 : vector<32xbf16>
      %parallel_loop3A_57 = vector.extract_strided_slice %parallel_loop3A_20 {offsets = [3], sizes = [1], strides = [1]} : vector<16xi32> to vector<1xi32>
      %parallel_loop3A_58 = vector.extract %parallel_loop3A_57[0] : i32 from vector<1xi32>
      %parallel_loop3A_59 = vector.broadcast %parallel_loop3A_58 : i32 to vector<16xi32>
      %parallel_loop3A_60 = arith.addi %add3A_5, %parallel_loop3A_59 : vector<16xi32>
      %parallel_loop3A_61 = tpu.vector_load_idx %arg5[%parallel_loop3A_60] : memref<32000xi32, #tpu.memory_space<vmem>>[vector<16xi32>], vector<16xi32>,
      %parallel_loop3A_62 = vector.bitcast %parallel_loop3A_61 : vector<16xi32> to vector<32xbf16>
      %parallel_loop3A_63 = arith.maximumf %parallel_loop3A_51, %parallel_loop3A_62 : vector<32xbf16>
      %parallel_loop3A_64 = vector.broadcast %parallel_loop3A_58 : i32 to vector<16xi32>
      %parallel_loop3A_65 = arith.addi %add3A_8, %parallel_loop3A_64 : vector<16xi32>
      %parallel_loop3A_66 = tpu.vector_load_idx %arg5[%parallel_loop3A_65] : memref<32000xi32, #tpu.memory_space<vmem>>[vector<16xi32>], vector<16xi32>,
      %parallel_loop3A_67 = vector.bitcast %parallel_loop3A_66 : vector<16xi32> to vector<32xbf16>
      %parallel_loop3A_68 = arith.maximumf %parallel_loop3A_56, %parallel_loop3A_67 : vector<32xbf16>
      %parallel_loop3A_69 = vector.extract_strided_slice %parallel_loop3A_20 {offsets = [4], sizes = [1], strides = [1]} : vector<16xi32> to vector<1xi32>
      %parallel_loop3A_70 = vector.extract %parallel_loop3A_69[0] : i32 from vector<1xi32>
      %parallel_loop3A_71 = vector.broadcast %parallel_loop3A_70 : i32 to vector<16xi32>
      %parallel_loop3A_72 = arith.addi %add3A_5, %parallel_loop3A_71 : vector<16xi32>
      %parallel_loop3A_73 = tpu.vector_load_idx %arg5[%parallel_loop3A_72] : memref<32000xi32, #tpu.memory_space<vmem>>[vector<16xi32>], vector<16xi32>,
      %parallel_loop3A_74 = vector.bitcast %parallel_loop3A_73 : vector<16xi32> to vector<32xbf16>
      %parallel_loop3A_75 = arith.maximumf %parallel_loop3A_63, %parallel_loop3A_74 : vector<32xbf16>
      %parallel_loop3A_76 = vector.broadcast %parallel_loop3A_70 : i32 to vector<16xi32>
      %parallel_loop3A_77 = arith.addi %add3A_8, %parallel_loop3A_76 : vector<16xi32>
      %parallel_loop3A_78 = tpu.vector_load_idx %arg5[%parallel_loop3A_77] : memref<32000xi32, #tpu.memory_space<vmem>>[vector<16xi32>], vector<16xi32>,
      %parallel_loop3A_79 = vector.bitcast %parallel_loop3A_78 : vector<16xi32> to vector<32xbf16>
      %parallel_loop3A_80 = arith.maximumf %parallel_loop3A_68, %parallel_loop3A_79 : vector<32xbf16>
      %parallel_loop3A_81 = vector.extract_strided_slice %parallel_loop3A_20 {offsets = [5], sizes = [1], strides = [1]} : vector<16xi32> to vector<1xi32>
      %parallel_loop3A_82 = vector.extract %parallel_loop3A_81[0] : i32 from vector<1xi32>
      %parallel_loop3A_83 = vector.broadcast %parallel_loop3A_82 : i32 to vector<16xi32>
      %parallel_loop3A_84 = arith.addi %add3A_5, %parallel_loop3A_83 : vector<16xi32>
      %parallel_loop3A_85 = tpu.vector_load_idx %arg5[%parallel_loop3A_84] : memref<32000xi32, #tpu.memory_space<vmem>>[vector<16xi32>], vector<16xi32>,
      %parallel_loop3A_86 = vector.bitcast %parallel_loop3A_85 : vector<16xi32> to vector<32xbf16>
      %parallel_loop3A_87 = arith.maximumf %parallel_loop3A_75, %parallel_loop3A_86 : vector<32xbf16>
      %parallel_loop3A_88 = vector.broadcast %parallel_loop3A_82 : i32 to vector<16xi32>
      %parallel_loop3A_89 = arith.addi %add3A_8, %parallel_loop3A_88 : vector<16xi32>
      %parallel_loop3A_90 = tpu.vector_load_idx %arg5[%parallel_loop3A_89] : memref<32000xi32, #tpu.memory_space<vmem>>[vector<16xi32>], vector<16xi32>,
      %parallel_loop3A_91 = vector.bitcast %parallel_loop3A_90 : vector<16xi32> to vector<32xbf16>
      %parallel_loop3A_92 = arith.maximumf %parallel_loop3A_80, %parallel_loop3A_91 : vector<32xbf16>
      %parallel_loop3A_93 = vector.extract_strided_slice %parallel_loop3A_20 {offsets = [6], sizes = [1], strides = [1]} : vector<16xi32> to vector<1xi32>
      %parallel_loop3A_94 = vector.extract %parallel_loop3A_93[0] : i32 from vector<1xi32>
      %parallel_loop3A_95 = vector.broadcast %parallel_loop3A_94 : i32 to vector<16xi32>
      %parallel_loop3A_96 = arith.addi %add3A_5, %parallel_loop3A_95 : vector<16xi32>
      %parallel_loop3A_97 = tpu.vector_load_idx %arg5[%parallel_loop3A_96] : memref<32000xi32, #tpu.memory_space<vmem>>[vector<16xi32>], vector<16xi32>,
      %parallel_loop3A_98 = vector.bitcast %parallel_loop3A_97 : vector<16xi32> to vector<32xbf16>
      %parallel_loop3A_99 = arith.maximumf %parallel_loop3A_87, %parallel_loop3A_98 : vector<32xbf16>
      %parallel_loop3A_100 = vector.broadcast %parallel_loop3A_94 : i32 to vector<16xi32>
      %parallel_loop3A_101 = arith.addi %add3A_8, %parallel_loop3A_100 : vector<16xi32>
      %parallel_loop3A_102 = tpu.vector_load_idx %arg5[%parallel_loop3A_101] : memref<32000xi32, #tpu.memory_space<vmem>>[vector<16xi32>], vector<16xi32>,
      %parallel_loop3A_103 = vector.bitcast %parallel_loop3A_102 : vector<16xi32> to vector<32xbf16>
      %parallel_loop3A_104 = arith.maximumf %parallel_loop3A_92, %parallel_loop3A_103 : vector<32xbf16>
      %parallel_loop3A_105 = vector.extract_strided_slice %parallel_loop3A_20 {offsets = [7], sizes = [1], strides = [1]} : vector<16xi32> to vector<1xi32>
      %parallel_loop3A_106 = vector.extract %parallel_loop3A_105[0] : i32 from vector<1xi32>
      %parallel_loop3A_107 = vector.broadcast %parallel_loop3A_106 : i32 to vector<16xi32>
      %parallel_loop3A_108 = arith.addi %add3A_5, %parallel_loop3A_107 : vector<16xi32>
      %parallel_loop3A_109 = tpu.vector_load_idx %arg5[%parallel_loop3A_108] : memref<32000xi32, #tpu.memory_space<vmem>>[vector<16xi32>], vector<16xi32>,
      %parallel_loop3A_110 = vector.bitcast %parallel_loop3A_109 : vector<16xi32> to vector<32xbf16>
      %parallel_loop3A_111 = arith.maximumf %parallel_loop3A_99, %parallel_loop3A_110 : vector<32xbf16>
      %parallel_loop3A_112 = vector.broadcast %parallel_loop3A_106 : i32 to vector<16xi32>
      %parallel_loop3A_113 = arith.addi %add3A_8, %parallel_loop3A_112 : vector<16xi32>
      %parallel_loop3A_114 = tpu.vector_load_idx %arg5[%parallel_loop3A_113] : memref<32000xi32, #tpu.memory_space<vmem>>[vector<16xi32>], vector<16xi32>,
      %parallel_loop3A_115 = vector.bitcast %parallel_loop3A_114 : vector<16xi32> to vector<32xbf16>
      %parallel_loop3A_116 = arith.maximumf %parallel_loop3A_104, %parallel_loop3A_115 : vector<32xbf16>
      %parallel_loop3A_117 = vector.extract_strided_slice %parallel_loop3A_20 {offsets = [8], sizes = [1], strides = [1]} : vector<16xi32> to vector<1xi32>
      %parallel_loop3A_118 = vector.extract %parallel_loop3A_117[0] : i32 from vector<1xi32>
      %parallel_loop3A_119 = vector.broadcast %parallel_loop3A_118 : i32 to vector<16xi32>
      %parallel_loop3A_120 = arith.addi %add3A_5, %parallel_loop3A_119 : vector<16xi32>
      %parallel_loop3A_121 = tpu.vector_load_idx %arg5[%parallel_loop3A_120] : memref<32000xi32, #tpu.memory_space<vmem>>[vector<16xi32>], vector<16xi32>,
      %parallel_loop3A_122 = vector.bitcast %parallel_loop3A_121 : vector<16xi32> to vector<32xbf16>
      %parallel_loop3A_123 = arith.maximumf %parallel_loop3A_111, %parallel_loop3A_122 : vector<32xbf16>
      %parallel_loop3A_124 = vector.broadcast %parallel_loop3A_118 : i32 to vector<16xi32>
      %parallel_loop3A_125 = arith.addi %add3A_8, %parallel_loop3A_124 : vector<16xi32>
      %parallel_loop3A_126 = tpu.vector_load_idx %arg5[%parallel_loop3A_125] : memref<32000xi32, #tpu.memory_space<vmem>>[vector<16xi32>], vector<16xi32>,
      %parallel_loop3A_127 = vector.bitcast %parallel_loop3A_126 : vector<16xi32> to vector<32xbf16>
      %parallel_loop3A_128 = arith.maximumf %parallel_loop3A_116, %parallel_loop3A_127 : vector<32xbf16>
      %parallel_loop3A_129 = vector.extract_strided_slice %parallel_loop3A_20 {offsets = [9], sizes = [1], strides = [1]} : vector<16xi32> to vector<1xi32>
      %parallel_loop3A_130 = vector.extract %parallel_loop3A_129[0] : i32 from vector<1xi32>
      %parallel_loop3A_131 = vector.broadcast %parallel_loop3A_130 : i32 to vector<16xi32>
      %parallel_loop3A_132 = arith.addi %add3A_5, %parallel_loop3A_131 : vector<16xi32>
      %parallel_loop3A_133 = tpu.vector_load_idx %arg5[%parallel_loop3A_132] : memref<32000xi32, #tpu.memory_space<vmem>>[vector<16xi32>], vector<16xi32>,
      %parallel_loop3A_134 = vector.bitcast %parallel_loop3A_133 : vector<16xi32> to vector<32xbf16>
      %parallel_loop3A_135 = arith.maximumf %parallel_loop3A_123, %parallel_loop3A_134 : vector<32xbf16>
      %parallel_loop3A_136 = vector.broadcast %parallel_loop3A_130 : i32 to vector<16xi32>
      %parallel_loop3A_137 = arith.addi %add3A_8, %parallel_loop3A_136 : vector<16xi32>
      %parallel_loop3A_138 = tpu.vector_load_idx %arg5[%parallel_loop3A_137] : memref<32000xi32, #tpu.memory_space<vmem>>[vector<16xi32>], vector<16xi32>,
      %parallel_loop3A_139 = vector.bitcast %parallel_loop3A_138 : vector<16xi32> to vector<32xbf16>
      %parallel_loop3A_140 = arith.maximumf %parallel_loop3A_128, %parallel_loop3A_139 : vector<32xbf16>
      %parallel_loop3A_141 = vector.extract_strided_slice %parallel_loop3A_20 {offsets = [10], sizes = [1], strides = [1]} : vector<16xi32> to vector<1xi32>
      %parallel_loop3A_142 = vector.extract %parallel_loop3A_141[0] : i32 from vector<1xi32>
      %parallel_loop3A_143 = vector.broadcast %parallel_loop3A_142 : i32 to vector<16xi32>
      %parallel_loop3A_144 = arith.addi %add3A_5, %parallel_loop3A_143 : vector<16xi32>
      %parallel_loop3A_145 = tpu.vector_load_idx %arg5[%parallel_loop3A_144] : memref<32000xi32, #tpu.memory_space<vmem>>[vector<16xi32>], vector<16xi32>,
      %parallel_loop3A_146 = vector.bitcast %parallel_loop3A_145 : vector<16xi32> to vector<32xbf16>
      %parallel_loop3A_147 = arith.maximumf %parallel_loop3A_135, %parallel_loop3A_146 : vector<32xbf16>
      %parallel_loop3A_148 = vector.broadcast %parallel_loop3A_142 : i32 to vector<16xi32>
      %parallel_loop3A_149 = arith.addi %add3A_8, %parallel_loop3A_148 : vector<16xi32>
      %parallel_loop3A_150 = tpu.vector_load_idx %arg5[%parallel_loop3A_149] : memref<32000xi32, #tpu.memory_space<vmem>>[vector<16xi32>], vector<16xi32>,
      %parallel_loop3A_151 = vector.bitcast %parallel_loop3A_150 : vector<16xi32> to vector<32xbf16>
      %parallel_loop3A_152 = arith.maximumf %parallel_loop3A_140, %parallel_loop3A_151 : vector<32xbf16>
      %parallel_loop3A_153 = vector.extract_strided_slice %parallel_loop3A_20 {offsets = [11], sizes = [1], strides = [1]} : vector<16xi32> to vector<1xi32>
      %parallel_loop3A_154 = vector.extract %parallel_loop3A_153[0] : i32 from vector<1xi32>
      %parallel_loop3A_155 = vector.broadcast %parallel_loop3A_154 : i32 to vector<16xi32>
      %parallel_loop3A_156 = arith.addi %add3A_5, %parallel_loop3A_155 : vector<16xi32>
      %parallel_loop3A_157 = tpu.vector_load_idx %arg5[%parallel_loop3A_156] : memref<32000xi32, #tpu.memory_space<vmem>>[vector<16xi32>], vector<16xi32>,
      %parallel_loop3A_158 = vector.bitcast %parallel_loop3A_157 : vector<16xi32> to vector<32xbf16>
      %parallel_loop3A_159 = arith.maximumf %parallel_loop3A_147, %parallel_loop3A_158 : vector<32xbf16>
      %parallel_loop3A_160 = vector.broadcast %parallel_loop3A_154 : i32 to vector<16xi32>
      %parallel_loop3A_161 = arith.addi %add3A_8, %parallel_loop3A_160 : vector<16xi32>
      %parallel_loop3A_162 = tpu.vector_load_idx %arg5[%parallel_loop3A_161] : memref<32000xi32, #tpu.memory_space<vmem>>[vector<16xi32>], vector<16xi32>,
      %parallel_loop3A_163 = vector.bitcast %parallel_loop3A_162 : vector<16xi32> to vector<32xbf16>
      %parallel_loop3A_164 = arith.maximumf %parallel_loop3A_152, %parallel_loop3A_163 : vector<32xbf16>
      %parallel_loop3A_165 = vector.extract_strided_slice %parallel_loop3A_20 {offsets = [12], sizes = [1], strides = [1]} : vector<16xi32> to vector<1xi32>
      %parallel_loop3A_166 = vector.extract %parallel_loop3A_165[0] : i32 from vector<1xi32>
      %parallel_loop3A_167 = vector.broadcast %parallel_loop3A_166 : i32 to vector<16xi32>
      %parallel_loop3A_168 = arith.addi %add3A_5, %parallel_loop3A_167 : vector<16xi32>
      %parallel_loop3A_169 = tpu.vector_load_idx %arg5[%parallel_loop3A_168] : memref<32000xi32, #tpu.memory_space<vmem>>[vector<16xi32>], vector<16xi32>,
      %parallel_loop3A_170 = vector.bitcast %parallel_loop3A_169 : vector<16xi32> to vector<32xbf16>
      %parallel_loop3A_171 = arith.maximumf %parallel_loop3A_159, %parallel_loop3A_170 : vector<32xbf16>
      %parallel_loop3A_172 = vector.broadcast %parallel_loop3A_166 : i32 to vector<16xi32>
      %parallel_loop3A_173 = arith.addi %add3A_8, %parallel_loop3A_172 : vector<16xi32>
      %parallel_loop3A_174 = tpu.vector_load_idx %arg5[%parallel_loop3A_173] : memref<32000xi32, #tpu.memory_space<vmem>>[vector<16xi32>], vector<16xi32>,
      %parallel_loop3A_175 = vector.bitcast %parallel_loop3A_174 : vector<16xi32> to vector<32xbf16>
      %parallel_loop3A_176 = arith.maximumf %parallel_loop3A_164, %parallel_loop3A_175 : vector<32xbf16>
      %parallel_loop3A_177 = vector.extract_strided_slice %parallel_loop3A_20 {offsets = [13], sizes = [1], strides = [1]} : vector<16xi32> to vector<1xi32>
      %parallel_loop3A_178 = vector.extract %parallel_loop3A_177[0] : i32 from vector<1xi32>
      %parallel_loop3A_179 = vector.broadcast %parallel_loop3A_178 : i32 to vector<16xi32>
      %parallel_loop3A_180 = arith.addi %add3A_5, %parallel_loop3A_179 : vector<16xi32>
      %parallel_loop3A_181 = tpu.vector_load_idx %arg5[%parallel_loop3A_180] : memref<32000xi32, #tpu.memory_space<vmem>>[vector<16xi32>], vector<16xi32>,
      %parallel_loop3A_182 = vector.bitcast %parallel_loop3A_181 : vector<16xi32> to vector<32xbf16>
      %parallel_loop3A_183 = arith.maximumf %parallel_loop3A_171, %parallel_loop3A_182 : vector<32xbf16>
      %parallel_loop3A_184 = vector.broadcast %parallel_loop3A_178 : i32 to vector<16xi32>
      %parallel_loop3A_185 = arith.addi %add3A_8, %parallel_loop3A_184 : vector<16xi32>
      %parallel_loop3A_186 = tpu.vector_load_idx %arg5[%parallel_loop3A_185] : memref<32000xi32, #tpu.memory_space<vmem>>[vector<16xi32>], vector<16xi32>,
      %parallel_loop3A_187 = vector.bitcast %parallel_loop3A_186 : vector<16xi32> to vector<32xbf16>
      %parallel_loop3A_188 = arith.maximumf %parallel_loop3A_176, %parallel_loop3A_187 : vector<32xbf16>
      %parallel_loop3A_189 = vector.extract_strided_slice %parallel_loop3A_20 {offsets = [14], sizes = [1], strides = [1]} : vector<16xi32> to vector<1xi32>
      %parallel_loop3A_190 = vector.extract %parallel_loop3A_189[0] : i32 from vector<1xi32>
      %parallel_loop3A_191 = vector.broadcast %parallel_loop3A_190 : i32 to vector<16xi32>
      %parallel_loop3A_192 = arith.addi %add3A_5, %parallel_loop3A_191 : vector<16xi32>
      %parallel_loop3A_193 = tpu.vector_load_idx %arg5[%parallel_loop3A_192] : memref<32000xi32, #tpu.memory_space<vmem>>[vector<16xi32>], vector<16xi32>,
      %parallel_loop3A_194 = vector.bitcast %parallel_loop3A_193 : vector<16xi32> to vector<32xbf16>
      %parallel_loop3A_195 = arith.maximumf %parallel_loop3A_183, %parallel_loop3A_194 : vector<32xbf16>
      %parallel_loop3A_196 = vector.broadcast %parallel_loop3A_190 : i32 to vector<16xi32>
      %parallel_loop3A_197 = arith.addi %add3A_8, %parallel_loop3A_196 : vector<16xi32>
      %parallel_loop3A_198 = tpu.vector_load_idx %arg5[%parallel_loop3A_197] : memref<32000xi32, #tpu.memory_space<vmem>>[vector<16xi32>], vector<16xi32>,
      %parallel_loop3A_199 = vector.bitcast %parallel_loop3A_198 : vector<16xi32> to vector<32xbf16>
      %parallel_loop3A_200 = arith.maximumf %parallel_loop3A_188, %parallel_loop3A_199 : vector<32xbf16>
      %parallel_loop3A_201 = vector.extract_strided_slice %parallel_loop3A_20 {offsets = [15], sizes = [1], strides = [1]} : vector<16xi32> to vector<1xi32>
      %parallel_loop3A_202 = vector.extract %parallel_loop3A_201[0] : i32 from vector<1xi32>
      %parallel_loop3A_203 = vector.broadcast %parallel_loop3A_202 : i32 to vector<16xi32>
      %parallel_loop3A_204 = arith.addi %add3A_5, %parallel_loop3A_203 : vector<16xi32>
      %parallel_loop3A_205 = tpu.vector_load_idx %arg5[%parallel_loop3A_204] : memref<32000xi32, #tpu.memory_space<vmem>>[vector<16xi32>], vector<16xi32>,
      %parallel_loop3A_206 = vector.bitcast %parallel_loop3A_205 : vector<16xi32> to vector<32xbf16>
      %parallel_loop3A_207 = arith.maximumf %parallel_loop3A_195, %parallel_loop3A_206 : vector<32xbf16>
      %parallel_loop3A_208 = vector.broadcast %parallel_loop3A_202 : i32 to vector<16xi32>
      %parallel_loop3A_209 = arith.addi %add3A_8, %parallel_loop3A_208 : vector<16xi32>
      %parallel_loop3A_210 = tpu.vector_load_idx %arg5[%parallel_loop3A_209] : memref<32000xi32, #tpu.memory_space<vmem>>[vector<16xi32>], vector<16xi32>,
      %parallel_loop3A_211 = vector.bitcast %parallel_loop3A_210 : vector<16xi32> to vector<32xbf16>
      %parallel_loop3A_212 = arith.maximumf %parallel_loop3A_200, %parallel_loop3A_211 : vector<32xbf16>
      %parallel_loop3A_213 = arith.constant 32 : i32
      %parallel_loop3A_214 = arith.muli %parallel_loop3A_13, %parallel_loop3A_213 : i32
      %parallel_loop3A_215 = vector.broadcast %parallel_loop3A_214 : i32 to vector<16xi32>
      %parallel_loop3A_216 = arith.addi %add3A_5, %parallel_loop3A_215 : vector<16xi32>
      %parallel_loop3A_217 = vector.bitcast %parallel_loop3A_207 : vector<32xbf16> to vector<16xi32>
      tpu.vector_store_idx %arg7[%parallel_loop3A_216], %parallel_loop3A_217 : memref<51200xi32, #tpu.memory_space<vmem>>[vector<16xi32>], vector<16xi32>,
      %parallel_loop3A_218 = vector.broadcast %parallel_loop3A_214 : i32 to vector<16xi32>
      %parallel_loop3A_219 = arith.addi %add3A_8, %parallel_loop3A_218 : vector<16xi32>
      %parallel_loop3A_220 = vector.bitcast %parallel_loop3A_212 : vector<32xbf16> to vector<16xi32>
      tpu.vector_store_idx %arg7[%parallel_loop3A_219], %parallel_loop3A_220 : memref<51200xi32, #tpu.memory_space<vmem>>[vector<16xi32>], vector<16xi32>,
    } {sc.loop_unroll_factor = 4 : i64, sc.parallel_access}
    %mul3A_11 = arith.constant 51200 : i32
    %mul3A_12 = arith.muli %add3A, %mul3A_11 : i32
    "tpu.region"() ({
      %run_scoped3A = tpu.sem_alloc : memref<!tpu.dma_semaphore, #tpu.memory_space<semaphore_mem>>
      %dma_start3A = tpu.memref_slice %arg4[%mul3A_12] : memref<1638400xi32, #tpu.memory_space<hbm>> -> memref<51200xi32, #tpu.memory_space<hbm>>
      %dma_start3A_13 = tpu.memref_slice %arg4[%mul3A_12] : memref<1638400xi32, #tpu.memory_space<hbm>> -> memref<51200xi32, #tpu.memory_space<hbm>>
      tpu.enqueue_dma source(%arg7 : memref<51200xi32, #tpu.memory_space<vmem>>) target(%dma_start3A_13 : memref<51200xi32, #tpu.memory_space<hbm>>) target_semaphore(%run_scoped3A : memref<!tpu.dma_semaphore, #tpu.memory_space<semaphore_mem>>)
      %dma_wait3A = tpu.memref_slice %arg4[%mul3A_12] : memref<1638400xi32, #tpu.memory_space<hbm>> -> memref<51200xi32, #tpu.memory_space<hbm>>
      %dma_wait3A_14 = tpu.memref_slice %arg4[%mul3A_12] : memref<1638400xi32, #tpu.memory_space<hbm>> -> memref<51200xi32, #tpu.memory_space<hbm>>
      tpu.wait_dma2 semaphore(%run_scoped3A : memref<!tpu.dma_semaphore, #tpu.memory_space<semaphore_mem>>) src(%arg7 : memref<51200xi32, #tpu.memory_space<vmem>>) dst(%dma_wait3A_14 : memref<51200xi32, #tpu.memory_space<hbm>>)
      tpu.yield
    }) : () -> ()
    return
  }
}

</mosaic_0001>

<sc_bundles>
// kernel: kernel.3.cloned.1.call-start
scs
__scs_entry_jumppad:
0x0: {  	(pc) =	sbr.rel $0x88, $3  }
0x1: {  	(tag) =	ssettag $0x0;
	lr =	simm.s32 $0x1  }
0x2: {  	[smem:$0x3F9F] =	sst lr;
	_ =	strace $0xD0000000  }
0x3: {  	_ = 	snop  }
0x4: {  	_ = 	snop  }
0x5: {  	_ = 	snop  }
0x6: {  	_ = 	snop  }
0x7: {  	_ = 	snop  }
__scs_overlays_trampoline_lowered:
0x8: {  	[smem:$0x3FAE] =	sst s0  }
0x9: {  	[smem:$0x3FAF] =	sst s1  }
0xa: {  	[smem:$0x3FB0] =	sst s2  }
0xb: {  	[smem:$0x3FB1] =	sst s3  }
0xc: {  	[smem:$0x3FB2] =	sst s4  }
0xd: {  	[smem:$0x3FB3] =	sst s5  }
0xe: {  	[smem:$0x3FB4] =	sst s6  }
0xf: {  	[smem:$0x3FB5] =	sst s7  }
0x10: {  	[smem:$0x3FB6] =	sst s8  }
0x11: {  	[smem:$0x3FB7] =	sst s9;
	s0 =	simm.s32 @!p0 $0x0  }
0x12: {  	s1 =	sld [smem:$0x3F9D];
	s0 =	simm.s32 @p0 $0x1  }
0x13: {  	[smem:$0x3FB8] =	sst s0;
	s0 =	simm.s32 @!p1 $0x0  }
0x14: {  	s2 =	sld [smem:$0x3F9C];
	s0 =	simm.s32 @p1 $0x1  }
0x15: {  	[smem:$0x3FB9] =	sst s0;
	s0 =	simm.s32 @!p2 $0x0  }
0x16: {  	s3 =	sld [smem:$0x3FDB];
	s0 =	simm.s32 @p2 $0x1  }
0x17: {  	s4 =	simm.s32 $0x1BF5;
	[smem:$0x3FBB] =	sst s0  }
0x18: {  	s0 =	sld [smem:$0x3F9E];
	_ =	swait.ge [sflag:s4], $0x0  }
0x19: {  	s7 =	sld [smem:$0x3F9F]  }
0x1a: {  	s8 =	sadd.s32 $0xFFFFE003, lr  }
0x1b: {  	s9 =	sadd.s32 $0xFFFFFEF7, lr;
	s5 =	simm.s32 $0xFFFFFFFF;
	p2 =	slt.u32 s8, $0xFFFFF086  }
0x1c: {  	p1 =	slt.u32 s9, $0xF7A;
	s5 =	simm.s32 @!p2 $0x0  }
0x1d: {  	s5 =	simm.s32 @p1 $0x1;
	p0 =	seq.s32 s7, s2  }
0x1e: {  	s7 =	smul.u32 @!p0 $0xF7A, s2;
	p2 =	seq.s32 @!p0 s5, $0x0  }
0x1f: {  	s9 =	smul.u32 $0xF7A, s1;
	s8 =	simm.s32 @!p0 $0x1BF5;
	p2 =	por !p2, p0  }
0x20: {  	[sflag:s8] =	ssyncset.s32 @!p0 $0xFFFFF086;
	s6 =	sadd.s32 @!p0 s3, s7;
	s7 =	simm.s32 @!p0 $0x108  }
0x21: {  	s3 =	sadd.s32 s3, s9;
	s6 =	sadd.s32 @!p0 $0x88, s6;
	s7 =	simm.s32 @p2 $0x1082  }
0x22: {  	[simem:s7], [sflag:s8] =	dma.local @!p0 [hbm:s6], $0xF7A  }
0x23: {  	s9 =	sor.u32 $0xD0000000, s2;
	s6 =	simm.s32 $0x108;
	_ =	swait.ge @!p0 [sflag:s8], $0x0  }
0x24: {  	s3 =	sadd.s32 $0x88, s3;
	s6 =	simm.s32 @!p1 $0x1082;
	[sflag:s4] =	ssyncset.s32 $0xFFFFF086  }
0x25: {  	[simem:s6], [sflag:s4] =	dma.local [hbm:s3], $0xF7A  }
0x26: {  	[smem:$0x3F9F] =	sst s1;
	(tag) =	ssettag s2;
	_ =	strace s9  }
0x27: {  	s1 =	sld [smem:$0x3FAF]  }
0x28: {  	s2 =	sld [smem:$0x3FB0]  }
0x29: {  	s4 =	sld [smem:$0x3FB2]  }
0x2a: {  	p0 =	seq.s32 s5, $0x0;
	s5 =	sld [smem:$0x3FB3]  }
0x2b: {  	s6 =	sld [smem:$0x3FB4]  }
0x2c: {  	s7 =	sld [smem:$0x3FB5]  }
0x2d: {  	s3 =	simm.s32 $0x108;
	s8 =	sld [smem:$0x3FB6]  }
0x2e: {  	s3 =	simm.s32 @!p0 $0x1082;
	s9 =	sld [smem:$0x3FB7]  }
0x2f: {  	lr =	sadd.s32 s0, s3;
	s0 =	sld [smem:$0x3FAE]  }
0x30: {  	s3 =	sld [smem:$0x3FB1]  }
0x31: {  	[smem:$0x3FBA] =	sst s10  }
0x32: {  	s10 =	sld [smem:$0x3FB8];
	_ =	sdelay $0x3  }
0x33: {  	p0 =	seq.s32 s10, $0x1;
	s10 =	sld [smem:$0x3FBA];
	_ =	sdelay $0x3  }
0x34: {  	[smem:$0x3FBA] =	sst s10  }
0x35: {  	s10 =	sld [smem:$0x3FB9];
	_ =	sdelay $0x3  }
0x36: {  	p1 =	seq.s32 s10, $0x1;
	s10 =	sld [smem:$0x3FBA];
	_ =	sdelay $0x3  }
0x37: {  	[smem:$0x3FBA] =	sst s10  }
0x38: {  	s10 =	sld [smem:$0x3FBB]  }
0x39: {  	_ = 	snop;
	(pc) =	sbr.ind lr, $3  }
0x3a: {  	_ = 	snop  }
0x3b: {  	_ = 	snop  }
0x3c: {  	p2 =	seq.s32 s10, $0x1;
	s10 =	sld [smem:$0x3FBA]  }
0x3d: {  	_ =	shalt  }
0x3e: {  	_ =	shalt  }
0x3f: {  	_ =	shalt  }
0x40: {  	_ =	shalt  }
0x41: {  	_ =	shalt  }
0x42: {  	_ =	shalt  }
0x43: {  	_ =	shalt  }
0x44: {  	_ =	shalt  }
0x45: {  	_ =	shalt  }
0x46: {  	_ =	shalt  }
0x47: {  	_ =	shalt  }
0x48: {  	_ =	shalt  }
0x49: {  	_ =	shalt  }
0x4a: {  	_ =	shalt  }
0x4b: {  	_ =	shalt  }
0x4c: {  	_ =	shalt  }
0x4d: {  	_ =	shalt  }
0x4e: {  	_ =	shalt  }
0x4f: {  	_ =	shalt  }
0x50: {  	_ =	shalt  }
0x51: {  	_ =	shalt  }
0x52: {  	_ =	shalt  }
0x53: {  	_ =	shalt  }
0x54: {  	_ =	shalt  }
0x55: {  	_ =	shalt  }
0x56: {  	_ =	shalt  }
0x57: {  	_ =	shalt  }
0x58: {  	_ =	shalt  }
0x59: {  	_ =	shalt  }
0x5a: {  	_ =	shalt  }
0x5b: {  	_ =	shalt  }
0x5c: {  	_ =	shalt  }
0x5d: {  	_ =	shalt  }
0x5e: {  	_ =	shalt  }
0x5f: {  	_ =	shalt  }
0x60: {  	_ =	shalt  }
0x61: {  	_ =	shalt  }
0x62: {  	_ =	shalt  }
0x63: {  	_ =	shalt  }
0x64: {  	_ =	shalt  }
0x65: {  	_ =	shalt  }
0x66: {  	_ =	shalt  }
0x67: {  	_ =	shalt  }
0x68: {  	_ =	shalt  }
0x69: {  	_ =	shalt  }
0x6a: {  	_ =	shalt  }
0x6b: {  	_ =	shalt  }
0x6c: {  	_ =	shalt  }
0x6d: {  	_ =	shalt  }
0x6e: {  	_ =	shalt  }
0x6f: {  	_ =	shalt  }
0x70: {  	_ =	shalt  }
0x71: {  	_ =	shalt  }
0x72: {  	_ =	shalt  }
0x73: {  	_ =	shalt  }
0x74: {  	_ =	shalt  }
0x75: {  	_ =	shalt  }
0x76: {  	_ =	shalt  }
0x77: {  	_ =	shalt  }
0x78: {  	_ =	shalt  }
0x79: {  	_ =	shalt  }
0x7a: {  	_ =	shalt  }
0x7b: {  	_ =	shalt  }
0x7c: {  	_ =	shalt  }
0x7d: {  	_ =	shalt  }
0x7e: {  	_ =	shalt  }
0x7f: {  	_ =	shalt  }
0x80: {  	_ =	shalt  }
0x81: {  	_ =	shalt  }
0x82: {  	_ =	shalt  }
0x83: {  	_ =	shalt  }
0x84: {  	_ =	shalt  }
0x85: {  	_ =	shalt  }
0x86: {  	_ =	shalt  }
0x87: {  	_ =	shalt  }
.Lfunc_end0:
.L_simem_size_0:
called_computation_lowered:
.L_overlay_start_0:
0x88: {  	s2 =	sld [smem:$0x3FD9]  }
0x89: {  	s3 =	sld [smem:$0x3FFE];
	_ =	sdelay $0x1  }
0x8a: {  	s1 =	srdreg.scid  }
0x8b: {  	s0 =	sand.u32 $0x1, s1  }
0x8c: {  	s17 =	sshll.u32 s0, $0xA;
	s2 =	sadd.s32 s3, s2  }
0x8d: {  	s2 =	sadd.s32 s2, s17  }
0x8e: {  	[smem:$0x3FC6] =	sst s2  }
0x8f: {  	_ = 	snop  }
0x90: {  	s2 =	sld [smem:$0x3FD0];
	(tm) =	ssettm $0x1  }
0x91: {  	s18 =	sld [smem:$0x3FFB];
	_ =	sdelay $0x3  }
0x92: {  	_ =	strace s18  }
0x93: {  	s3 =	sld [smem:$0x3FFC];
	_ =	sdelay $0x3  }
0x94: {  	_ =	strace s3  }
0x95: {  	s3 =	sld [smem:$0x3FFD];
	_ =	sdelay $0x3  }
0x96: {  	_ =	strace s3  }
0x97: {  	_ =	strace $0x8FFFFFFF  }
0x98: {  	s19 =	sld [smem:$0x3FDB];
	_ =	sdelay $0x1  }
0x99: {  	s4 =	simm.s32 $_scs_section_size  }
0x9a: {  	s5 =	simm.s32 $_size__tile_overlayer_lowered;
	s6 =	simm.s32 $_tile_overlayer_lowered  }
0x9b: {  	s22 =	simm.s32 $0x1BFF;
	s21 =	sshll.u32 s6, $0x1;
	s3 =	sadd.s32 s4, s19  }
0x9c: {  	s7 =	simm.s32 $0x0;
	s20 =	sshll.u32 s5, $0x1;
	s5 =	sadd.s32 s21, s3  }
0x9d: {  	[timem:s7], [sflag:s22] =	dma.local [hbm:s5], s20  }
0x9e: {  	_ =	swait.ge [sflag:s22], s20  }
0x9f: {  	s4 =	ssub.s32 $0x0, s20;
	[sflag:s22] =	ssyncset.done $0x0  }
0xa0: {  	[sflag:s22] =	ssyncadd.s32 s4;
	_ =	sdelay $0x1  }
0xa1: {  	s23 =	simm.s32 $0x1B8B  }
0xa2: {  	_ =	swait.ge [sflag:s23], $0x1  }
0xa3: {  	[sflag:s23] =	ssyncset.done $0x0  }
0xa4: {  	s25 =	simm.s32 $0x1B8E;
	s24 =	sld [smem:$0x3FFE];
	[sflag:s23] =	ssyncadd.s32 $0xFFFFFFFF  }
0xa5: {  	s26 =	simm.s32 $execute0_lowered;
	[smem:$0x3FD2] =	sst s25  }
0xa6: {  	s5 =	sshll.u32 s26, $0x1;
	_ =	strace $0x80000046;
	[dreg:$0x1] =	wrdreg $0xFFFFFFFF  }
0xa7: {  	s28 =	simm.s32 $_size_execute0_lowered;
	s3 =	sadd.s32 s3, s5;
	[dreg:$0x0] =	wrdreg $0x0  }
0xa8: {  	s5 =	sshll.u32 s28, $0x1;
	[dreg:$0x2] =	wrdreg s3  }
0xa9: {  	[dreg:$0x3] =	wrdreg s5  }
0xaa: {  	[dreg:$0x4] =	wrdreg $0xC0  }
0xab: {  	_ =	task [dreg:s7], $0x5FFFF  }
0xac: {  	[dreg:$0x1] =	wrdreg $0xFFFFFFFF  }
0xad: {  	[dreg:$0x0] =	wrdreg $0x60  }
0xae: {  	[dreg:$0x2] =	wrdreg s24  }
0xaf: {  	[dreg:$0x3] =	wrdreg s2  }
0xb0: {  	[dreg:$0x4] =	wrdreg $0x9  }
0xb1: {  	_ =	task.clear_ibuf [dreg:s7], $0x5FFFF;
	_ =	strace $0x90000046  }
0xb2: {  	s29 =	simm.s32 $0x9;
	_ =	strace $0x80000048  }
0xb3: {  	_ =	swait.ge [sflag:s29], $0x1  }
0xb4: {  	[sflag:s29] =	ssyncadd.s32 $0xFFFFFFFF  }
0xb5: {  	_ =	strace $0x90000048  }
0xb6: {  	_ =	sfence  }
0xb7: {  	s30 =	sld [smem:$0x0];
	_ =	sdelay $0x2  }
0xb8: {  	s31 =	sshll.u32 s1, $0xD;
	s1 =	sshrl.u32 s1, $0x2  }
0xb9: {  	s3 =	sand.u32 $0x4000, s31;
	s1 =	sadd.s32 s1, s30  }
0xba: {  	s0 =	sor.u32 s3, s0;
	s1 =	sshll.u32 s1, $0x11  }
0xbb: {  	s0 =	sor.u32 s1, s0  }
0xbc: {  	s0 =	sadd.s32 $0x8F2B, s0  }
0xbd: {  	[sflag:s0] =	ssyncadd.remote.s32 $0x1  }
0xbe: {  	_ =	sfence.sel $0xFFFF  }
0xbf: {  	[dreg:$0x0] =	wrdreg $0xFFFFFFFF;
	(pc) =	sbr.abs _section_cstart, $3  }
0xc0: {  	[dreg:$0x1] =	wrdreg $0xFFFFFFFF  }
0xc1: {  	_ =	task.clear_ibuf [dreg:s7], $0x2FFFF;
	_ =	strace $0x9FFFFFFF  }
0xc2: {  	(tm) =	ssettm $0x7FFFFFFF  }
0xc3: {  	_ =	shalt  }
tec
execute0_lowered:
.L_overlay_start_1:
0x0: {  	(tag) =	ssettag $0x1  }
0x1: {  	s3 =	rddreg [dreg:$0x0];
	s1 =	srdreg.scid  }
0x2: {  	s0 =	stileid.u32;
	s5 =	rddreg [dreg:$0x1];
	s2 =	simm.s32 $0x0;
	v0 =	vlaneseq.u32  }
0x3: {  	s4 =	sand.u32 $0x1, s1;
	s6 =	sshll.u32 s0, $0x1;
	[smem:$0x7FF] =	sst s2;
	v2 =	vor.u32 $0x20, v0  }
0x4: {  	s1 =	rddreg [dreg:$0x2];
	v52 =	vor.u32 $0x30, v0;
	s6 =	sor.u32 s4, s6;
	_ =	strace $0x80000047;
	[tilespmem:$0x1FFA0] =	vst v2  }
0x5: {  	v53 =	vor.u32 $0x40, v0;
	s4 =	ssub.s32 $0x2, s4;
	[tilespmem:$0x1FFB0] =	vst v52;
	s7 =	smul.u32 $0xC80, s6  }
0x6: {  	s9 =	simm.s32 $0xE100;
	v54 =	vor.u32 $0x50, v0;
	[tilespmem:$0x1FFC0] =	vst v53;
	s8 =	sshrl.u32 s4, $0x1;
	s6 =	smul.u32 $0x1900, s6  }
0x7: {  	s10 =	simm.s32 $0x0;
	v55 =	vor.u32 $0x60, v0;
	[tilespmem:$0x1FFD0] =	vst v54;
	s8 =	ssub.s32 s4, s8;
	s7 =	sadd.s32 s7, s3  }
0x8: {  	v56 =	vor.u32 $0x70, v0;
	[tilespmem:$0x1FFE0] =	vst v55;
	s3 =	sadd.s32 $0x19200, s3;
	s5 =	sadd.s32 s5, s6;
	s6 =	smax.u32 s8, $0x1  }
0x9: {  	v1 =	vor.u32 $0x10, v0;
	[tilespmem:$0x1FFF0] =	vst v56;
	s8 =	simm.s32 $0x7D00;
	s4 =	sadd.s32 $0x200, s7;
	s7 =	simm.s32 $0x1  }
.LBB2_1:
0xa: {  	[tilespmem:s2], [sflag:$0x1] =	stream.linear.gather [hbm4b:s3+s2], $0x7D00, $0x38;
	[tilespmem:$0x1A900] =	vst v63  }
0xb: {  	_ =	swait.ge [sflag:s7], $0x7D00  }
0xc: {  	[sflag:s7] =	ssyncset.done $0x0  }
0xd: {  	[sflag:s7] =	ssyncadd.s32 $0xFFFF8300  }
0xe: {  	[tilespmem:s8], [sflag:$0x1] =	stream.linear.gather [hbm4b:s4+s2], $0x6400, $0x38;
	[tilespmem:$0x1A900] =	vst v63  }
0xf: {  	_ =	swait.ge [sflag:s7], $0x6400  }
0x10: {  	[sflag:s7] =	ssyncset.done $0x0  }
0x11: {  	s11 =	simm.s32 $0x7D20;
	[sflag:s7] =	ssyncadd.s32 $0xFFFF9C00  }
0x12: {  	v2 =	vld [tilespmem:s11+$0x10];
	_ =	sdelay $0x4  }
0x13: {  	v7 =	vshll.u32 v2, $0x5  }
0x14: {  	v9 =	vbroadcast v7, $0xF  }
0x15: {  	v10 =	vbroadcast v7, $0xE  }
0x16: {  	v12 =	vbroadcast v7, $0xD;
	v2 =	vor.u32 v0, v9  }
0x17: {  	v8 =	vbroadcast v7, $0xC;
	v3 =	vor.u32 v0, v10  }
0x18: {  	v13 =	vld [tilespmem:s11+$0xFFFFFFF0];
	v14 =	vbroadcast v7, $0xB;
	v4 =	vor.u32 v0, v12  }
0x19: {  	v15 =	vld [tilespmem:s11+$0x0];
	v16 =	vbroadcast v7, $0xA;
	v5 =	vor.u32 v0, v8  }
0x1a: {  	v17 =	vld [tilespmem:s11+$0xFFFFFFE0];
	v18 =	vbroadcast v7, $0x9;
	v6 =	vor.u32 v0, v14  }
0x1b: {  	v19 =	vbroadcast v7, $0x8;
	v20 =	vor.u32 v0, v16;
	v11 =	vld.idx.msk [tilespmem:v2+s2+$0x0], $0xffff  }
0x1c: {  	v21 =	vbroadcast v7, $0x7;
	v22 =	vor.u32 v0, v18;
	v2 =	vld.idx.msk [tilespmem:v3+s2+$0x0], $0xffff  }
0x1d: {  	v23 =	vbroadcast v7, $0x6;
	v24 =	vor.u32 v0, v19;
	v3 =	vld.idx.msk [tilespmem:v4+s2+$0x0], $0xffff  }
0x1e: {  	v25 =	vbroadcast v7, $0x5;
	v26 =	vor.u32 v0, v21;
	v4 =	vld.idx.msk [tilespmem:v5+s2+$0x0], $0xffff  }
0x1f: {  	v27 =	vbroadcast v7, $0x4;
	v28 =	vor.u32 v0, v23;
	v5 =	vld.idx.msk [tilespmem:v6+s2+$0x0], $0xffff  }
0x20: {  	v29 =	vbroadcast v7, $0x3;
	v30 =	vor.u32 v0, v25;
	v6 =	vld.idx.msk [tilespmem:v20+s2+$0x0], $0xffff  }
0x21: {  	v32 =	vbroadcast v7, $0x0;
	v31 =	vor.u32 v0, v27;
	v22 =	vld.idx.msk [tilespmem:v22+s2+$0x0], $0xffff  }
0x22: {  	v33 =	vor.u32 v0, v29;
	v24 =	vld.idx.msk [tilespmem:v24+s2+$0x0], $0xffff  }
0x23: {  	v35 =	vor.u32 v0, v32;
	v26 =	vld.idx.msk [tilespmem:v26+s2+$0x0], $0xffff  }
0x24: {  	v32 =	vor.u32 v1, v32;
	v28 =	vld.idx.msk [tilespmem:v28+s2+$0x0], $0xffff  }
0x25: {  	v29 =	vor.u32 v1, v29;
	v30 =	vld.idx.msk [tilespmem:v30+s2+$0x0], $0xffff  }
0x26: {  	v27 =	vor.u32 v1, v27;
	v31 =	vld.idx.msk [tilespmem:v31+s2+$0x0], $0xffff  }
0x27: {  	v25 =	vor.u32 v1, v25;
	v33 =	vld.idx.msk [tilespmem:v33+s2+$0x0], $0xffff  }
0x28: {  	v23 =	vor.u32 v1, v23;
	v35 =	vld.idx.msk [tilespmem:v35+s2+$0x0], $0xffff  }
0x29: {  	v21 =	vor.u32 v1, v21;
	v32 =	vld.idx.msk [tilespmem:v32+s2+$0x0], $0xffff  }
0x2a: {  	v19 =	vor.u32 v1, v19;
	v29 =	vld.idx.msk [tilespmem:v29+s2+$0x0], $0xffff  }
0x2b: {  	v18 =	vor.u32 v1, v18;
	v27 =	vld.idx.msk [tilespmem:v27+s2+$0x0], $0xffff  }
0x2c: {  	v16 =	vor.u32 v1, v16;
	v25 =	vld.idx.msk [tilespmem:v25+s2+$0x0], $0xffff  }
0x2d: {  	v14 =	vor.u32 v1, v14;
	v23 =	vld.idx.msk [tilespmem:v23+s2+$0x0], $0xffff  }
0x2e: {  	v12 =	vor.u32 v1, v12;
	v21 =	vld.idx.msk [tilespmem:v21+s2+$0x0], $0xffff  }
0x2f: {  	v37 =	vor.u32 v1, v8;
	v8 =	vshll.u32 v17, $0x5;
	v10 =	vor.u32 v1, v10;
	v17 =	vld.idx.msk [tilespmem:v19+s2+$0x0], $0xffff  }
0x30: {  	v38 =	vor.u32 v1, v9;
	v39 =	vbroadcast v8, $0x1;
	v18 =	vld.idx.msk [tilespmem:v18+s2+$0x0], $0xffff  }
0x31: {  	v9 =	vshll.u32 v13, $0x5;
	v16 =	vld.idx.msk [tilespmem:v16+s2+$0x0], $0xffff  }
0x32: {  	v50 =	vbroadcast v9, $0x0;
	v41 =	vor.u32 v0, v39;
	v14 =	vld.idx.msk [tilespmem:v14+s2+$0x0], $0xffff  }
0x33: {  	v43 =	vbroadcast v9, $0x1;
	v39 =	vor.u32 v1, v39;
	v12 =	vld.idx.msk [tilespmem:v12+s2+$0x0], $0xffff  }
0x34: {  	v44 =	vor.u32 v0, v50;
	v19 =	vbroadcast v8, $0x0;
	v42 =	vld.idx.msk [tilespmem:v10+s2+$0x0], $0xffff  }
0x35: {  	v45 =	vor.u32 v0, v43;
	v43 =	vor.u32 v1, v43;
	v38 =	vld.idx.msk [tilespmem:v38+s2+$0x0], $0xffff  }
0x36: {  	v20 =	vbroadcast v7, $0x2;
	v40 =	vor.u32 v0, v19;
	v13 =	vor.u32 v1, v19;
	v19 =	vld.idx.msk [tilespmem:v37+s2+$0x0], $0xffff  }
0x37: {  	v7 =	vbroadcast v7, $0x1;
	v10 =	vshll.u32 v15, $0x5;
	v15 =	vor.u32 v1, v50;
	v41 =	vld.idx.msk [tilespmem:v41+s2+$0x0], $0xffff  }
0x38: {  	v34 =	vor.u32 v0, v20;
	v39 =	vld.idx.msk [tilespmem:v39+s2+$0x0], $0xffff  }
0x39: {  	v36 =	vor.u32 v0, v7;
	v44 =	vld.idx.msk [tilespmem:v44+s2+$0x0], $0xffff  }
0x3a: {  	v7 =	vor.u32 v1, v7;
	v45 =	vld.idx.msk [tilespmem:v45+s2+$0x0], $0xffff  }
0x3b: {  	v43 =	vld.idx.msk [tilespmem:v43+s2+$0x0], $0xffff  }
0x3c: {  	v46 =	vbroadcast v10, $0x1;
	v20 =	vor.u32 v1, v20;
	v15 =	vld.idx.msk [tilespmem:v15+s2+$0x0], $0xffff  }
0x3d: {  	v51 =	vbroadcast v10, $0x0;
	v34 =	vld.idx.msk [tilespmem:v34+s2+$0x0], $0xffff  }
0x3e: {  	v49 =	vor.u32 v0, v46;
	v46 =	vor.u32 v1, v46;
	v36 =	vld.idx.msk [tilespmem:v36+s2+$0x0], $0xffff  }
0x3f: {  	v48 =	vbroadcast v8, $0x2;
	v47 =	vor.u32 v0, v51;
	v7 =	vld.idx.msk [tilespmem:v7+s2+$0x0], $0xffff  }
0x40: {  	v37 =	vld.idx.msk [tilespmem:v40+s2+$0x0], $0xffff;
	v40 =	vor.u32 v1, v51  }
0x41: {  	v50 =	vbroadcast v9, $0x2;
	v20 =	vld.idx.msk [tilespmem:v20+s2+$0x0], $0xffff;
	v51 =	vor.u32 v0, v48;
	v48 =	vor.u32 v1, v48  }
0x42: {  	v60 =	vbroadcast v8, $0x3;
	v13 =	vld.idx.msk [tilespmem:v13+s2+$0x0], $0xffff  }
0x43: {  	v62 =	vbroadcast v9, $0x3;
	v57 =	vbroadcast v10, $0x2;
	v59 =	vor.u32 v1, v50;
	v46 =	vld.idx.msk [tilespmem:v46+s2+$0x0], $0xffff  }
0x44: {  	v63 =	vbroadcast v10, $0x3;
	v58 =	vor.u32 v0, v50;
	v35 =	vmax.bf16 v35, v36;
	v36 =	vld.idx.msk [tilespmem:v47+s2+$0x0], $0xffff  }
0x45: {  	v61 =	vor.u32 v0, v57;
	v15 =	vmax.bf16 v15, v43;
	v7 =	vmax.bf16 v32, v7;
	v40 =	vld.idx.msk [tilespmem:v40+s2+$0x0], $0xffff  }
0x46: {  	v48 =	vld.idx.msk [tilespmem:v48+s2+$0x0], $0xffff;
	v47 =	vbroadcast v8, $0x4;
	v34 =	vmax.bf16 v35, v34;
	v7 =	vmax.bf16 v7, v20  }
0x47: {  	v20 =	vld.idx.msk [tilespmem:v49+s2+$0x0], $0xffff;
	v33 =	vmax.bf16 v34, v33;
	v7 =	vmax.bf16 v7, v29;
	v29 =	vor.u32 v1, v57  }
0x48: {  	v35 =	vld.idx.msk [tilespmem:v59+s2+$0x0], $0xffff;
	v49 =	vor.u32 v1, v63;
	v59 =	vmax.bf16 v44, v45;
	v31 =	vmax.bf16 v33, v31  }
0x49: {  	v33 =	vld.idx.msk [tilespmem:v51+s2+$0x0], $0xffff;
	v7 =	vmax.bf16 v7, v27;
	v27 =	vor.u32 v0, v60;
	v30 =	vmax.bf16 v31, v30  }
0x4a: {  	v31 =	vor.u32 v1, v60;
	v7 =	vmax.bf16 v7, v25;
	v25 =	vld.idx.msk [tilespmem:v58+s2+$0x0], $0xffff;
	v28 =	vmax.bf16 v30, v28  }
0x4b: {  	v50 =	vor.u32 v0, v47;
	v30 =	vor.u32 v0, v62;
	v26 =	vmax.bf16 v28, v26;
	v28 =	vld.idx.msk [tilespmem:v61+s2+$0x0], $0xffff  }
0x4c: {  	v60 =	vbroadcast v9, $0x6;
	v7 =	vmax.bf16 v7, v23;
	v23 =	vor.u32 v1, v62;
	v29 =	vld.idx.msk [tilespmem:v29+s2+$0x0], $0xffff  }
0x4d: {  	v7 =	vmax.bf16 v7, v21;
	v21 =	vor.u32 v0, v63;
	v24 =	vmax.bf16 v26, v24;
	v26 =	vld.idx.msk [tilespmem:v49+s2+$0x0], $0xffff  }
0x4e: {  	v57 =	vmax.bf16 v37, v41;
	v63 =	vbroadcast v10, $0x6;
	v7 =	vmax.bf16 v7, v17;
	v17 =	vld.idx.msk [tilespmem:v27+s2+$0x0], $0xffff  }
0x4f: {  	v43 =	vor.u32 v1, v60;
	v27 =	vbroadcast v9, $0x4;
	v22 =	vmax.bf16 v24, v22;
	v31 =	vld.idx.msk [tilespmem:v31+s2+$0x0], $0xffff  }
0x50: {  	v7 =	vmax.bf16 v7, v18;
	v18 =	vor.u32 v1, v47;
	v6 =	vmax.bf16 v22, v6;
	v22 =	vld.idx.msk [tilespmem:v30+s2+$0x0], $0xffff  }
0x51: {  	v24 =	vmax.bf16 v57, v33;
	v33 =	vor.u32 v1, v63;
	v7 =	vmax.bf16 v7, v16;
	v23 =	vld.idx.msk [tilespmem:v23+s2+$0x0], $0xffff  }
0x52: {  	v44 =	vbroadcast v8, $0x7;
	v16 =	vor.u32 v0, v27;
	v7 =	vmax.bf16 v7, v14;
	v21 =	vld.idx.msk [tilespmem:v21+s2+$0x0], $0xffff  }
0x53: {  	v5 =	vmax.bf16 v6, v5;
	v6 =	vor.u32 v1, v27;
	v7 =	vmax.bf16 v7, v19;
	v19 =	vld.idx.msk [tilespmem:v50+s2+$0x0], $0xffff  }
0x54: {  	v20 =	vmax.bf16 v36, v20;
	v47 =	vor.u32 v1, v44;
	v30 =	vbroadcast v10, $0x4;
	v34 =	vld.idx.msk [tilespmem:v43+s2+$0x0], $0xffff  }
0x55: {  	v20 =	vmax.bf16 v20, v28;
	v28 =	vor.u32 v0, v63;
	v18 =	vld.idx.msk [tilespmem:v18+s2+$0x0], $0xffff  }
0x56: {  	v14 =	vbroadcast v8, $0x5;
	v4 =	vmax.bf16 v5, v4;
	v5 =	vor.u32 v0, v30;
	v33 =	vld.idx.msk [tilespmem:v33+s2+$0x0], $0xffff  }
0x57: {  	v27 =	vbroadcast v10, $0x5;
	v3 =	vmax.bf16 v4, v3;
	v4 =	vor.u32 v1, v30;
	v16 =	vld.idx.msk [tilespmem:v16+s2+$0x0], $0xffff  }
0x58: {  	v25 =	vmax.bf16 v59, v25;
	v7 =	vmax.bf16 v7, v12;
	v12 =	vor.u32 v0, v14;
	v6 =	vld.idx.msk [tilespmem:v6+s2+$0x0], $0xffff  }
0x59: {  	v58 =	vor.u32 v0, v27;
	v17 =	vmax.bf16 v24, v17;
	v22 =	vmax.bf16 v25, v22;
	v25 =	vld.idx.msk [tilespmem:v47+s2+$0x0], $0xffff  }
0x5a: {  	v51 =	vbroadcast v9, $0x5;
	v27 =	vor.u32 v1, v27;
	v17 =	vmax.bf16 v17, v19;
	v19 =	vld.idx.msk [tilespmem:v28+s2+$0x0], $0xffff  }
0x5b: {  	v2 =	vmax.bf16 v3, v2;
	v3 =	vmax.bf16 v7, v42;
	v7 =	vor.u32 v1, v14;
	v5 =	vld.idx.msk [tilespmem:v5+s2+$0x0], $0xffff  }
0x5c: {  	v13 =	vmax.bf16 v13, v39;
	v42 =	vor.u32 v0, v60;
	v4 =	vld.idx.msk [tilespmem:v4+s2+$0x0], $0xffff  }
0x5d: {  	v30 =	vbroadcast v8, $0x6;
	v11 =	vmax.bf16 v2, v11;
	v2 =	vor.u32 v0, v51;
	v12 =	vld.idx.msk [tilespmem:v12+s2+$0x0], $0xffff  }
0x5e: {  	v62 =	vmax.bf16 v40, v46;
	v14 =	vmax.bf16 v3, v38;
	v3 =	vor.u32 v1, v51;
	v32 =	vld.idx.msk [tilespmem:v58+s2+$0x0], $0xffff  }
0x5f: {  	v13 =	vmax.bf16 v13, v48;
	v46 =	vbroadcast v9, $0x7;
	v61 =	vor.u32 v0, v30;
	v27 =	vld.idx.msk [tilespmem:v27+s2+$0x0], $0xffff  }
0x60: {  	v15 =	vmax.bf16 v15, v35;
	v29 =	vmax.bf16 v62, v29;
	v30 =	vor.u32 v1, v30;
	v7 =	vld.idx.msk [tilespmem:v7+s2+$0x0], $0xffff  }
0x61: {  	v13 =	vmax.bf16 v13, v31;
	v31 =	vor.u32 v0, v44;
	v15 =	vmax.bf16 v15, v23;
	v23 =	vld.idx.msk [tilespmem:v42+s2+$0x0], $0xffff  }
0x62: {  	v20 =	vmax.bf16 v20, v21;
	v21 =	vor.u32 v0, v46;
	v28 =	vbroadcast v8, $0x8;
	v2 =	vld.idx.msk [tilespmem:v2+s2+$0x0], $0xffff  }
0x63: {  	v48 =	vbroadcast v10, $0x7;
	v26 =	vmax.bf16 v29, v26;
	v29 =	vor.u32 v1, v46;
	v3 =	vld.idx.msk [tilespmem:v3+s2+$0x0], $0xffff  }
0x64: {  	v49 =	vor.u32 v1, v28;
	v45 =	vld.idx.msk [tilespmem:v61+s2+$0x0], $0xffff  }
0x65: {  	v13 =	vmax.bf16 v13, v18;
	v18 =	vor.u32 v0, v48;
	v30 =	vld.idx.msk [tilespmem:v30+s2+$0x0], $0xffff;
	v16 =	vmax.bf16 v22, v16  }
0x66: {  	v22 =	vor.u32 v1, v48;
	v6 =	vmax.bf16 v15, v6;
	v15 =	vld.idx.msk [tilespmem:v31+s2+$0x0], $0xffff;
	v31 =	vbroadcast v9, $0x8  }
0x67: {  	v5 =	vmax.bf16 v20, v5;
	v20 =	vor.u32 v0, v28;
	v12 =	vmax.bf16 v17, v12;
	v17 =	vld.idx.msk [tilespmem:v21+s2+$0x0], $0xffff  }
0x68: {  	v21 =	vbroadcast v10, $0x8;
	v28 =	vld.idx.msk [tilespmem:v29+s2+$0x0], $0xffff;
	v7 =	vmax.bf16 v13, v7;
	v13 =	vor.u32 v0, v31  }
0x69: {  	v4 =	vmax.bf16 v26, v4;
	v26 =	vld.idx.msk [tilespmem:v49+s2+$0x0], $0xffff;
	v2 =	vmax.bf16 v16, v2;
	v16 =	vor.u32 v1, v31  }
0x6a: {  	v50 =	vbroadcast v9, $0x9;
	v3 =	vmax.bf16 v6, v3;
	v6 =	vld.idx.msk [tilespmem:v18+s2+$0x0], $0xffff;
	v29 =	vor.u32 v0, v21  }
0x6b: {  	v5 =	vmax.bf16 v5, v32;
	v18 =	vbroadcast v8, $0x9;
	v21 =	vor.u32 v1, v21;
	v22 =	vld.idx.msk [tilespmem:v22+s2+$0x0], $0xffff  }
0x6c: {  	v24 =	vor.u32 v1, v50;
	v5 =	vmax.bf16 v5, v19;
	v19 =	vor.u32 v0, v50;
	v20 =	vld.idx.msk [tilespmem:v20+s2+$0x0], $0xffff  }
0x6d: {  	v51 =	vbroadcast v8, $0xB;
	v4 =	vmax.bf16 v4, v27;
	v27 =	vor.u32 v0, v18;
	v13 =	vld.idx.msk [tilespmem:v13+s2+$0x0], $0xffff  }
0x6e: {  	v2 =	vmax.bf16 v2, v23;
	v23 =	vbroadcast v10, $0x9;
	v18 =	vor.u32 v1, v18;
	v16 =	vld.idx.msk [tilespmem:v16+s2+$0x0], $0xffff  }
0x6f: {  	v12 =	vmax.bf16 v12, v45;
	v7 =	vmax.bf16 v7, v30;
	v4 =	vmax.bf16 v4, v33;
	v29 =	vld.idx.msk [tilespmem:v29+s2+$0x0], $0xffff  }
0x70: {  	v30 =	vbroadcast v8, $0xA;
	v12 =	vmax.bf16 v12, v15;
	v15 =	vor.u32 v0, v23;
	v21 =	vld.idx.msk [tilespmem:v21+s2+$0x0], $0xffff  }
0x71: {  	v3 =	vmax.bf16 v3, v34;
	v7 =	vmax.bf16 v7, v25;
	v23 =	vor.u32 v1, v23;
	v19 =	vld.idx.msk [tilespmem:v19+s2+$0x0], $0xffff  }
0x72: {  	v2 =	vmax.bf16 v2, v17;
	v3 =	vmax.bf16 v3, v28;
	v28 =	vor.u32 v0, v30;
	v17 =	vld.idx.msk [tilespmem:v27+s2+$0x0], $0xffff  }
0x73: {  	v7 =	vmax.bf16 v7, v26;
	v26 =	vor.u32 v1, v51;
	v27 =	vbroadcast v9, $0xA;
	v18 =	vld.idx.msk [tilespmem:v18+s2+$0x0], $0xffff  }
0x74: {  	v30 =	vor.u32 v1, v30;
	v5 =	vmax.bf16 v5, v6;
	v12 =	vmax.bf16 v12, v20;
	v20 =	vld.idx.msk [tilespmem:v24+s2+$0x0], $0xffff  }
0x75: {  	s12 =	simm.s32 $0x0;
	v6 =	vbroadcast v10, $0xA;
	v4 =	vmax.bf16 v4, v22;
	v15 =	vld.idx.msk [tilespmem:v15+s2+$0x0], $0xffff;
	v22 =	vor.u32 v0, v27  }
0x76: {  	v49 =	vor.u32 s12, v0;
	v23 =	vld.idx.msk [tilespmem:v23+s2+$0x0], $0xffff;
	v27 =	vor.u32 v1, v27  }
0x77: {  	v28 =	vld.idx.msk [tilespmem:v28+s2+$0x0], $0xffff;
	v2 =	vmax.bf16 v2, v13;
	v13 =	vor.u32 v0, v6;
	v6 =	vor.u32 v1, v6  }
0x78: {  	v26 =	vld.idx.msk [tilespmem:v26+s2+$0x0], $0xffff;
	v3 =	vmax.bf16 v3, v16;
	v16 =	vbroadcast v9, $0xB;
	v5 =	vmax.bf16 v5, v29  }
0x79: {  	v29 =	vor.u32 v0, v51;
	v4 =	vmax.bf16 v4, v21;
	v21 =	vld.idx.msk [tilespmem:v30+s2+$0x0], $0xffff;
	v30 =	vbroadcast v10, $0xB  }
0x7a: {  	s11 =	simm.s32 $0x60;
	v12 =	vmax.bf16 v12, v17;
	v7 =	vmax.bf16 v7, v18;
	v18 =	vor.u32 v0, v16;
	v17 =	vld.idx.msk [tilespmem:v22+s2+$0x0], $0xffff  }
0x7b: {  	v45 =	vor.u32 s12, v1;
	v25 =	vor.u32 s11, v55;
	v16 =	vor.u32 v1, v16;
	v27 =	vld.idx.msk [tilespmem:v27+s2+$0x0], $0xffff  }
0x7c: {  	s13 =	simm.s32 $0x20;
	v3 =	vmax.bf16 v3, v20;
	v20 =	vor.u32 v0, v30;
	v22 =	vbroadcast v8, $0xC;
	v13 =	vld.idx.msk [tilespmem:v13+s2+$0x0], $0xffff  }
0x7d: {  	v34 =	vor.u32 s13, v52;
	v30 =	vor.u32 v1, v30;
	v4 =	vmax.bf16 v4, v23;
	v6 =	vld.idx.msk [tilespmem:v6+s2+$0x0], $0xffff  }
0x7e: {  	v12 =	vmax.bf16 v12, v28;
	v23 =	vld.idx.msk [tilespmem:v29+s2+$0x0], $0xffff;
	v29 =	vbroadcast v8, $0xD;
	v28 =	vor.u32 v0, v22  }
0x7f: {  	v24 =	vor.u32 s11, v56;
	v2 =	vmax.bf16 v2, v19;
	v22 =	vor.u32 v1, v22;
	v18 =	vld.idx.msk [tilespmem:v18+s2+$0x0], $0xffff  }
0x80: {  	v19 =	vbroadcast v9, $0xC;
	v5 =	vmax.bf16 v5, v15;
	v16 =	vld.idx.msk [tilespmem:v16+s2+$0x0], $0xffff;
	v55 =	vor.u32 v0, v29  }
0x81: {  	v15 =	vbroadcast v10, $0xC;
	v31 =	vor.u32 v1, v29;
	v5 =	vmax.bf16 v5, v13;
	v13 =	vld.idx.msk [tilespmem:v20+s2+$0x0], $0xffff  }
0x82: {  	v2 =	vmax.bf16 v2, v17;
	v17 =	vor.u32 v0, v19;
	v4 =	vmax.bf16 v4, v6;
	v6 =	vld.idx.msk [tilespmem:v30+s2+$0x0], $0xffff  }
0x83: {  	v7 =	vmax.bf16 v7, v21;
	v21 =	vbroadcast v9, $0xD;
	v19 =	vor.u32 v1, v19;
	v28 =	vld.idx.msk [tilespmem:v28+s2+$0x0], $0xffff  }
0x84: {  	v20 =	vor.u32 v0, v15;
	v12 =	vmax.bf16 v12, v23;
	v23 =	vbroadcast v9, $0xE;
	v22 =	vld.idx.msk [tilespmem:v22+s2+$0x0], $0xffff  }
0x85: {  	v7 =	vmax.bf16 v7, v26;
	v15 =	vor.u32 v1, v15;
	v30 =	vbroadcast v8, $0xE;
	v26 =	vld.idx.msk [tilespmem:v55+s2+$0x0], $0xffff  }
0x86: {  	v3 =	vmax.bf16 v3, v27;
	v58 =	vor.u32 v0, v23;
	v29 =	vor.u32 v1, v23;
	v23 =	vld.idx.msk [tilespmem:v31+s2+$0x0], $0xffff  }
0x87: {  	[tilespmem:v25+s9+$0x0] =	vst.idx.msk $0xffff, v11;
	v27 =	vbroadcast v10, $0xD;
	v8 =	vbroadcast v8, $0xF;
	v57 =	vor.u32 v1, v30;
	v17 =	vld.idx.msk [tilespmem:v17+s2+$0x0], $0xffff  }
0x88: {  	v9 =	vbroadcast v9, $0xF;
	v3 =	vmax.bf16 v3, v16;
	v16 =	vor.u32 v0, v21;
	v19 =	vld.idx.msk [tilespmem:v19+s2+$0x0], $0xffff  }
0x89: {  	v56 =	vor.u32 v0, v30;
	v2 =	vmax.bf16 v2, v18;
	v18 =	vbroadcast v10, $0xE;
	v20 =	vld.idx.msk [tilespmem:v20+s2+$0x0], $0xffff  }
0x8a: {  	v21 =	vor.u32 v1, v21;
	v62 =	vor.u32 v1, v9;
	v5 =	vmax.bf16 v5, v13;
	v15 =	vld.idx.msk [tilespmem:v15+s2+$0x0], $0xffff  }
0x8b: {  	v13 =	vor.u32 v0, v27;
	v12 =	vmax.bf16 v12, v28;
	v28 =	vor.u32 v0, v9;
	v9 =	vld [tilespmem:$0x1FFA0]  }
0x8c: {  	v10 =	vbroadcast v10, $0xF;
	v37 =	vor.u32 v0, v18;
	v30 =	vor.u32 v1, v18;
	v18 =	vld.idx.msk [tilespmem:v57+s2+$0x0], $0xffff  }
0x8d: {  	v35 =	vor.u32 v1, v8;
	v31 =	vor.u32 v0, v8;
	v27 =	vor.u32 v1, v27;
	v59 =	vld.idx.msk [tilespmem:v16+s2+$0x0], $0xffff  }
0x8e: {  	v6 =	vmax.bf16 v4, v6;
	v33 =	vor.u32 v0, v10;
	[tilespmem:v24+s9+$0x0] =	vst.idx.msk $0xffff, v14;
	v14 =	vld.idx.msk [tilespmem:v58+s2+$0x0], $0xffff  }
0x8f: {  	v22 =	vmax.bf16 v7, v22;
	v17 =	vmax.bf16 v2, v17;
	v2 =	vmax.bf16 v3, v19;
	v3 =	vld.idx.msk [tilespmem:v21+s2+$0x0], $0xffff  }
0x90: {  	s14 =	simm.s32 $0x40;
	v32 =	vor.u32 v1, v10;
	v8 =	vmax.bf16 v12, v26;
	v16 =	vmax.bf16 v22, v23;
	v4 =	vld.idx.msk [tilespmem:v13+s2+$0x0], $0xffff  }
0x91: {  	v22 =	vor.u32 s14, v53;
	v23 =	vor.u32 s14, v54;
	v6 =	vmax.bf16 v6, v15;
	v15 =	vld.idx.msk [tilespmem:v56+s2+$0x0], $0xffff  }
0x92: {  	s12 =	simm.s32 $0x0;
	v5 =	vmax.bf16 v5, v20;
	v7 =	vld.idx.msk [tilespmem:v27+s2+$0x0], $0xffff;
	v36 =	vor.u32 s13, v9;
	s13 =	simm.s32 $0x7D60;
	v9 =	vmax.bf16 v17, v59  }
.LBB2_2:
0x93: {  	_ =	sdelay $0x1  }
0x94: {  	v2 =	vmax.bf16 v2, v3  }
0x95: {  	v17 =	vld [tilespmem:s13+$0x10];
	v3 =	vmax.bf16 v5, v4;
	v5 =	vmax.bf16 v8, v15;
	[tilespmem:$0x1FE50] =	vst v2  }
0x96: {  	v2 =	vld [tilespmem:s13+$0xFFFFFFF0];
	[tilespmem:$0x1FE90] =	vst v5;
	v5 =	vmax.bf16 v16, v18  }
0x97: {  	[tilespmem:$0x1FED0] =	vst v5;
	v5 =	vld.idx.msk [tilespmem:v29+s2+$0x0], $0xffff;
	_ =	sdelay $0x1  }
0x98: {  	v10 =	vld.idx.msk [tilespmem:v62+s2+$0x0], $0xffff;
	_ =	sdelay $0x1  }
0x99: {  	[tilespmem:$0x1FF70] =	vst v34;
	v4 =	vmax.bf16 v6, v7;
	v7 =	vld.idx.msk [tilespmem:v28+s2+$0x0], $0xffff  }
0x9a: {  	v29 =	vshll.u32 v2, $0x5;
	v2 =	vld.idx.msk [tilespmem:v30+s2+$0x0], $0xffff;
	[tilespmem:$0x1FE60] =	vst v5;
	v5 =	vshll.u32 v17, $0x5  }
0x9b: {  	[tilespmem:$0x1FE70] =	vst v3;
	v3 =	vld [tilespmem:s13+$0x0];
	v19 =	vbroadcast v5, $0xD  }
0x9c: {  	[tilespmem:$0x1FF10] =	vst v10;
	v10 =	vld.idx.msk [tilespmem:v33+s2+$0x0], $0xffff;
	v43 =	vbroadcast v5, $0xC  }
0x9d: {  	v6 =	vmax.bf16 v9, v14;
	[tilespmem:$0x1FEB0] =	vst v4;
	v4 =	vld [tilespmem:s13+$0xFFFFFFE0];
	v44 =	vbroadcast v5, $0xB;
	v9 =	vor.u32 v0, v19  }
0x9e: {  	[tilespmem:$0x1FEF0] =	vst v6;
	v6 =	vld.idx.msk [tilespmem:v37+s2+$0x0], $0xffff;
	v46 =	vbroadcast v5, $0xA;
	v15 =	vor.u32 v0, v43  }
0x9f: {  	v34 =	vbroadcast v5, $0x9;
	v17 =	vor.u32 v0, v44;
	[tilespmem:$0x1FEC0] =	vst v2;
	v2 =	vld.idx.msk [tilespmem:v31+s2+$0x0], $0xffff  }
0xa0: {  	v30 =	vshll.u32 v3, $0x5;
	v3 =	vld.idx.msk [tilespmem:v35+s2+$0x0], $0xffff;
	v54 =	vbroadcast v5, $0x5;
	v18 =	vor.u32 v0, v46  }
0xa1: {  	[tilespmem:$0x1FF20] =	vst v10;
	v10 =	vld.idx.msk [tilespmem:v32+s2+$0x0], $0xffff;
	v55 =	vbroadcast v5, $0x4;
	v20 =	vor.u32 v0, v34  }
0xa2: {  	v39 =	vbroadcast v5, $0xF;
	v56 =	vor.u32 v0, v54;
	v35 =	vld.idx.msk [tilespmem:v9+s2+$0x0], $0xffff  }
0xa3: {  	v58 =	vor.u32 v0, v55;
	v16 =	vld.idx.msk [tilespmem:v15+s2+$0x0], $0xffff  }
0xa4: {  	v48 =	vld.idx.msk [tilespmem:v17+s2+$0x0], $0xffff;
	[tilespmem:$0x1FEA0] =	vst v2;
	v2 =	vor.u32 v0, v39  }
0xa5: {  	v41 =	vbroadcast v5, $0x6;
	v55 =	vor.u32 v1, v55;
	v52 =	vld.idx.msk [tilespmem:v18+s2+$0x0], $0xffff  }
0xa6: {  	[tilespmem:$0x1FE80] =	vst v6;
	v6 =	vbroadcast v29, $0x0;
	v8 =	vbroadcast v5, $0xE;
	v54 =	vor.u32 v1, v54;
	v59 =	vld.idx.msk [tilespmem:v20+s2+$0x0], $0xffff  }
0xa7: {  	v38 =	vbroadcast v5, $0x7;
	v13 =	vor.u32 v1, v41;
	v31 =	vshll.u32 v4, $0x5;
	v56 =	vld.idx.msk [tilespmem:v56+s2+$0x0], $0xffff  }
0xa8: {  	[tilespmem:$0x1FEE0] =	vst v3;
	v4 =	vor.u32 v0, v8;
	v8 =	vor.u32 v1, v8;
	v3 =	vbroadcast v31, $0x0;
	v58 =	vld.idx.msk [tilespmem:v58+s2+$0x0], $0xffff  }
0xa9: {  	[tilespmem:$0x1FF40] =	vst v49;
	v26 =	vbroadcast v30, $0x1;
	v53 =	vbroadcast v5, $0x8;
	v47 =	vor.u32 v0, v6;
	v2 =	vld.idx.msk [tilespmem:v2+s2+$0x0], $0xffff  }
0xaa: {  	[tilespmem:$0x1FF00] =	vst v7;
	v7 =	vbroadcast v31, $0x1;
	v51 =	vor.u32 v0, v3;
	v9 =	vor.u32 v0, v38;
	v55 =	vld.idx.msk [tilespmem:v55+s2+$0x0], $0xffff  }
0xab: {  	[tilespmem:$0x1FF50] =	vst v45;
	v45 =	vor.u32 v1, v3;
	v3 =	vbroadcast v5, $0x3;
	v15 =	vor.u32 v0, v41;
	v54 =	vld.idx.msk [tilespmem:v54+s2+$0x0], $0xffff  }
0xac: {  	v49 =	vor.u32 v0, v7;
	v20 =	vor.u32 v1, v6;
	v6 =	vor.u32 v1, v26;
	v13 =	vld.idx.msk [tilespmem:v13+s2+$0x0], $0xffff  }
0xad: {  	v50 =	vor.u32 v1, v7;
	v7 =	vbroadcast v5, $0x0;
	v60 =	vor.u32 v0, v3;
	v8 =	vld.idx.msk [tilespmem:v8+s2+$0x0], $0xffff  }
0xae: {  	[tilespmem:$0x1FE40] =	vst v2;
	v2 =	vld.idx.msk [tilespmem:v4+s2+$0x0], $0xffff;
	v4 =	vor.u32 v0, v53  }
0xaf: {  	v63 =	vor.u32 v0, v7;
	v62 =	vld.idx.msk [tilespmem:v9+s2+$0x0], $0xffff;
	v9 =	vbroadcast v5, $0x1  }
0xb0: {  	[tilespmem:$0x1FF80] =	vst v22;
	v22 =	vor.u32 v1, v7;
	v21 =	vld.idx.msk [tilespmem:v15+s2+$0x0], $0xffff  }
0xb1: {  	v57 =	vbroadcast v5, $0x2;
	v6 =	vld.idx.msk [tilespmem:v6+s2+$0x0], $0xffff;
	v33 =	vor.u32 v0, v9  }
0xb2: {  	[tilespmem:$0x1FF60] =	vst v36;
	v60 =	vld.idx.msk [tilespmem:v60+s2+$0x0], $0xffff;
	v36 =	vor.u32 v1, v9  }
0xb3: {  	v61 =	vld.idx.msk [tilespmem:v4+s2+$0x0], $0xffff;
	v4 =	vor.u32 v0, v57  }
0xb4: {  	v63 =	vld.idx.msk [tilespmem:v63+s2+$0x0], $0xffff;
	v57 =	vor.u32 v1, v57  }
0xb5: {  	v24 =	vbroadcast v29, $0x3;
	v27 =	vor.u32 v1, v3;
	v22 =	vld.idx.msk [tilespmem:v22+s2+$0x0], $0xffff  }
0xb6: {  	v14 =	vbroadcast v29, $0x1;
	v40 =	vbroadcast v29, $0x2;
	v5 =	vor.u32 v0, v26;
	v28 =	vld.idx.msk [tilespmem:v33+s2+$0x0], $0xffff  }
0xb7: {  	v12 =	vld.idx.msk [tilespmem:v36+s2+$0x0], $0xffff;
	v36 =	vor.u32 v1, v38;
	v38 =	vor.u32 v0, v24;
	v24 =	vor.u32 v1, v24  }
0xb8: {  	v25 =	vbroadcast v30, $0x0;
	v42 =	vbroadcast v30, $0x2;
	v26 =	vld.idx.msk [tilespmem:v4+s2+$0x0], $0xffff  }
0xb9: {  	v11 =	vbroadcast v29, $0x4;
	v32 =	vor.u32 v1, v40;
	v53 =	vor.u32 v1, v53;
	v57 =	vld.idx.msk [tilespmem:v57+s2+$0x0], $0xffff  }
0xba: {  	v34 =	vor.u32 v1, v34;
	v27 =	vld.idx.msk [tilespmem:v27+s2+$0x0], $0xffff;
	v4 =	vor.u32 v0, v40;
	v40 =	vor.u32 v0, v42  }
0xbb: {  	v46 =	vor.u32 v1, v46;
	v44 =	vor.u32 v1, v44;
	v37 =	vbroadcast v31, $0x2;
	v5 =	vld.idx.msk [tilespmem:v5+s2+$0x0], $0xffff  }
0xbc: {  	[tilespmem:$0x1FF90] =	vst v23;
	v19 =	vor.u32 v1, v19;
	v23 =	vbroadcast v31, $0x3;
	v28 =	vmax.bf16 v63, v28;
	v24 =	vld.idx.msk [tilespmem:v24+s2+$0x0], $0xffff  }
0xbd: {  	v7 =	vor.u32 v1, v37;
	v12 =	vmax.bf16 v22, v12;
	v22 =	vmax.bf16 v28, v26;
	v26 =	vld.idx.msk [tilespmem:v36+s2+$0x0], $0xffff  }
0xbe: {  	[tilespmem:$0x1FF30] =	vst v10;
	v10 =	vbroadcast v31, $0x4;
	v17 =	vor.u32 v0, v14;
	v12 =	vmax.bf16 v12, v57;
	v57 =	vld.idx.msk [tilespmem:v53+s2+$0x0], $0xffff  }
0xbf: {  	v18 =	vor.u32 v1, v14;
	v14 =	vor.u32 v1, v25;
	v28 =	vor.u32 v1, v43;
	v40 =	vld.idx.msk [tilespmem:v40+s2+$0x0], $0xffff  }
0xc0: {  	v41 =	vor.u32 v0, v23;
	v22 =	vmax.bf16 v22, v60;
	v12 =	vmax.bf16 v12, v27;
	v27 =	vld.idx.msk [tilespmem:v34+s2+$0x0], $0xffff  }
0xc1: {  	v3 =	vbroadcast v29, $0x5;
	v22 =	vmax.bf16 v22, v58;
	v12 =	vmax.bf16 v12, v55;
	v58 =	vld.idx.msk [tilespmem:v46+s2+$0x0], $0xffff  }
0xc2: {  	v15 =	vor.u32 v0, v25;
	v22 =	vmax.bf16 v22, v56;
	v12 =	vmax.bf16 v12, v54;
	v54 =	vld.idx.msk [tilespmem:v7+s2+$0x0], $0xffff  }
0xc3: {  	v25 =	vbroadcast v30, $0x3;
	v9 =	vor.u32 v0, v37;
	v21 =	vmax.bf16 v22, v21;
	v22 =	vld.idx.msk [tilespmem:v44+s2+$0x0], $0xffff  }
0xc4: {  	v60 =	vor.u32 v1, v39;
	v12 =	vmax.bf16 v12, v13;
	v13 =	vmax.bf16 v21, v62;
	v21 =	vld.idx.msk [tilespmem:v28+s2+$0x0], $0xffff  }
0xc5: {  	v37 =	vor.u32 v1, v42;
	v33 =	vbroadcast v30, $0x4;
	v43 =	vor.u32 v0, v10;
	v28 =	vld.idx.msk [tilespmem:v47+s2+$0x0], $0xffff  }
0xc6: {  	v44 =	vor.u32 v1, v10;
	v10 =	vmax.bf16 v12, v26;
	v12 =	vmax.bf16 v13, v61;
	v13 =	vld.idx.msk [tilespmem:v19+s2+$0x0], $0xffff  }
0xc7: {  	[tilespmem:$0x1FE30] =	vst v2;
	v2 =	vbroadcast v31, $0x5;
	v63 =	vbroadcast v30, $0x5;
	v10 =	vmax.bf16 v10, v57;
	v19 =	vld.idx.msk [tilespmem:v51+s2+$0x0], $0xffff  }
0xc8: {  	v42 =	vor.u32 v1, v23;
	v12 =	vmax.bf16 v12, v59;
	v10 =	vmax.bf16 v10, v27;
	v27 =	vld.idx.msk [tilespmem:v45+s2+$0x0], $0xffff  }
0xc9: {  	v39 =	vor.u32 v0, v11;
	v46 =	vor.u32 v1, v11;
	v11 =	vmax.bf16 v12, v52;
	v12 =	vld.idx.msk [tilespmem:v60+s2+$0x0], $0xffff  }
0xca: {  	v23 =	vor.u32 v0, v25;
	v10 =	vmax.bf16 v10, v58;
	v11 =	vmax.bf16 v11, v48;
	v48 =	vld [tilespmem:$0x1FFE0]  }
0xcb: {  	v25 =	vor.u32 v1, v25;
	v53 =	vor.u32 v0, v63;
	v10 =	vmax.bf16 v10, v22;
	v22 =	vld.idx.msk [tilespmem:v49+s2+$0x0], $0xffff  }
0xcc: {  	v36 =	vbroadcast v29, $0xB;
	v47 =	vbroadcast v29, $0x9;
	v11 =	vmax.bf16 v11, v16;
	v16 =	vld [tilespmem:$0x1FFF0]  }
0xcd: {  	v51 =	vor.u32 v0, v33;
	v57 =	vor.u32 v1, v3;
	v10 =	vmax.bf16 v10, v21;
	v21 =	vld.idx.msk [tilespmem:v50+s2+$0x0], $0xffff  }
0xce: {  	v58 =	vor.u32 v1, v63;
	v60 =	vbroadcast v31, $0x8;
	v10 =	vmax.bf16 v10, v13;
	v13 =	vld [tilespmem:$0x1FE30]  }
0xcf: {  	v63 =	vbroadcast v29, $0x8;
	v52 =	vbroadcast v30, $0x8;
	v8 =	vmax.bf16 v10, v8;
	v10 =	vld [tilespmem:$0x1FE40]  }
0xd0: {  	s11 =	sadd.s32 $0x80, s11;
	v34 =	vld.idx.msk [tilespmem:v37+s2+$0x0], $0xffff;
	v50 =	vbroadcast v30, $0x6;
	v11 =	vmax.bf16 v11, v35;
	v8 =	vmax.bf16 v8, v12  }
0xd1: {  	v37 =	vld.idx.msk [tilespmem:v38+s2+$0x0], $0xffff;
	v12 =	vor.u32 v1, v2;
	v26 =	vor.u32 s11, v48;
	v48 =	vor.u32 v1, v33  }
0xd2: {  	v59 =	vld.idx.msk [tilespmem:v42+s2+$0x0], $0xffff;
	v22 =	vmax.bf16 v19, v22;
	v33 =	vbroadcast v31, $0xA;
	v16 =	vor.u32 s11, v16  }
0xd3: {  	v21 =	vmax.bf16 v27, v21;
	v27 =	vld.idx.msk [tilespmem:v9+s2+$0x0], $0xffff;
	v11 =	vmax.bf16 v11, v13;
	v13 =	vbroadcast v31, $0x6  }
0xd4: {  	v21 =	vmax.bf16 v21, v54;
	v38 =	vor.u32 v1, v33;
	v10 =	vmax.bf16 v11, v10;
	v11 =	vld.idx.msk [tilespmem:v20+s2+$0x0], $0xffff  }
0xd5: {  	v20 =	vbroadcast v29, $0x6;
	v56 =	vor.u32 v0, v13;
	v55 =	vor.u32 v1, v13;
	v13 =	vld.idx.msk [tilespmem:v14+s2+$0x0], $0xffff  }
0xd6: {  	v14 =	vor.u32 v0, v50;
	v12 =	vld.idx.msk [tilespmem:v12+s2+$0x0], $0xffff;
	[tilespmem:v26+s9+$0x0] =	vst.idx.msk $0xffff, v10;
	v10 =	vor.u32 v0, v2  }
0xd7: {  	v2 =	vld.idx.msk [tilespmem:v17+s2+$0x0], $0xffff;
	v26 =	vor.u32 v0, v3;
	v61 =	vor.u32 v0, v20;
	v62 =	vor.u32 v1, v20  }
0xd8: {  	v3 =	vbroadcast v31, $0x7;
	v20 =	vor.u32 v1, v50;
	v50 =	vbroadcast v30, $0x9;
	[tilespmem:v16+s9+$0x0] =	vst.idx.msk $0xffff, v8;
	v8 =	vld.idx.msk [tilespmem:v18+s2+$0x0], $0xffff  }
0xd9: {  	v21 =	vmax.bf16 v21, v59;
	v16 =	vbroadcast v29, $0x7;
	v18 =	vld.idx.msk [tilespmem:v15+s2+$0x0], $0xffff;
	v15 =	vbroadcast v30, $0x7  }
0xda: {  	v22 =	vmax.bf16 v22, v27;
	v27 =	vld.idx.msk [tilespmem:v41+s2+$0x0], $0xffff;
	v41 =	vbroadcast v29, $0xA;
	v7 =	vor.u32 v0, v3  }
0xdb: {  	v9 =	vor.u32 v1, v3;
	v3 =	vld.idx.msk [tilespmem:v4+s2+$0x0], $0xffff;
	v4 =	vbroadcast v31, $0x9;
	v19 =	vor.u32 v0, v16  }
0xdc: {  	v17 =	vor.u32 v1, v16;
	v16 =	vor.u32 v0, v63;
	v2 =	vmax.bf16 v28, v2;
	v28 =	vld.idx.msk [tilespmem:v32+s2+$0x0], $0xffff  }
0xdd: {  	v13 =	vmax.bf16 v13, v6;
	v6 =	vor.u32 v0, v52;
	v32 =	vor.u32 v1, v60;
	v10 =	vld.idx.msk [tilespmem:v10+s2+$0x0], $0xffff  }
0xde: {  	v26 =	vld.idx.msk [tilespmem:v26+s2+$0x0], $0xffff;
	v11 =	vmax.bf16 v11, v8;
	v5 =	vmax.bf16 v18, v5;
	v18 =	vor.u32 v0, v60  }
0xdf: {  	v8 =	vor.u32 v1, v63;
	v60 =	vor.u32 v1, v52;
	v63 =	vor.u32 v0, v4;
	v52 =	vld.idx.msk [tilespmem:v44+s2+$0x0], $0xffff  }
0xe0: {  	v3 =	vmax.bf16 v2, v3;
	v2 =	vor.u32 v1, v4;
	v4 =	vmax.bf16 v5, v40;
	v5 =	vld.idx.msk [tilespmem:v23+s2+$0x0], $0xffff  }
0xe1: {  	v59 =	vbroadcast v30, $0xB;
	v45 =	vor.u32 v0, v50;
	v35 =	vor.u32 v0, v15;
	v23 =	vld.idx.msk [tilespmem:v25+s2+$0x0], $0xffff  }
0xe2: {  	v15 =	vor.u32 v1, v15;
	v42 =	vor.u32 v0, v41;
	v13 =	vmax.bf16 v13, v34;
	v25 =	vld.idx.msk [tilespmem:v43+s2+$0x0], $0xffff  }
0xe3: {  	v22 =	vmax.bf16 v22, v27;
	v44 =	vor.u32 v0, v33;
	v33 =	vld.idx.msk [tilespmem:v39+s2+$0x0], $0xffff;
	v11 =	vmax.bf16 v11, v28  }
0xe4: {  	v27 =	vbroadcast v31, $0xB;
	v43 =	vor.u32 v1, v50;
	v11 =	vmax.bf16 v11, v24;
	v24 =	vld.idx.msk [tilespmem:v46+s2+$0x0], $0xffff  }
0xe5: {  	v34 =	vld.idx.msk [tilespmem:v53+s2+$0x0], $0xffff;
	v40 =	vor.u32 v1, v41;
	v50 =	vor.u32 v1, v36;
	v3 =	vmax.bf16 v3, v37  }
0xe6: {  	v37 =	vbroadcast v29, $0xC;
	v28 =	vbroadcast v30, $0xA;
	v4 =	vmax.bf16 v4, v5;
	v5 =	vld.idx.msk [tilespmem:v51+s2+$0x0], $0xffff  }
0xe7: {  	v21 =	vmax.bf16 v21, v52;
	v13 =	vmax.bf16 v13, v23;
	v23 =	vld.idx.msk [tilespmem:v48+s2+$0x0], $0xffff;
	v22 =	vmax.bf16 v22, v25  }
0xe8: {  	v3 =	vmax.bf16 v3, v33;
	v41 =	vor.u32 v0, v28;
	v10 =	vmax.bf16 v22, v10;
	v22 =	vld.idx.msk [tilespmem:v56+s2+$0x0], $0xffff  }
0xe9: {  	v39 =	vor.u32 v1, v28;
	v28 =	vbroadcast v31, $0xC;
	v11 =	vmax.bf16 v11, v24;
	v24 =	vld.idx.msk [tilespmem:v57+s2+$0x0], $0xffff  }
0xea: {  	v46 =	vor.u32 v0, v59;
	v33 =	vbroadcast v29, $0xD;
	v12 =	vmax.bf16 v21, v12;
	v21 =	vld.idx.msk [tilespmem:v55+s2+$0x0], $0xffff  }
0xeb: {  	v25 =	vbroadcast v30, $0xC;
	v53 =	vor.u32 v1, v28;
	v57 =	vor.u32 v0, v28;
	v28 =	vld.idx.msk [tilespmem:v61+s2+$0x0], $0xffff  }
0xec: {  	v48 =	vor.u32 v0, v36;
	v51 =	vor.u32 v1, v59;
	v13 =	vmax.bf16 v13, v23;
	v23 =	vld.idx.msk [tilespmem:v58+s2+$0x0], $0xffff  }
0xed: {  	v36 =	vbroadcast v30, $0xD;
	v59 =	vor.u32 v0, v37;
	v10 =	vmax.bf16 v10, v22;
	v22 =	vld.idx.msk [tilespmem:v7+s2+$0x0], $0xffff  }
0xee: {  	v56 =	vor.u32 v1, v37;
	v37 =	vbroadcast v29, $0xE;
	v11 =	vmax.bf16 v11, v24;
	v24 =	vld.idx.msk [tilespmem:v62+s2+$0x0], $0xffff  }
0xef: {  	v26 =	vmax.bf16 v3, v26;
	v12 =	vmax.bf16 v12, v21;
	v21 =	vld.idx.msk [tilespmem:v9+s2+$0x0], $0xffff;
	v9 =	vbroadcast v29, $0xF  }
0xf0: {  	v20 =	vld.idx.msk [tilespmem:v20+s2+$0x0], $0xffff;
	v29 =	vor.u32 v1, v37;
	v7 =	vor.u32 v1, v36;
	v62 =	vbroadcast v30, $0xE  }
0xf1: {  	v15 =	vld.idx.msk [tilespmem:v15+s2+$0x0], $0xffff;
	v26 =	vmax.bf16 v26, v28;
	v28 =	vor.u32 v0, v9;
	v23 =	vmax.bf16 v13, v23  }
0xf2: {  	v13 =	vor.u32 v0, v36;
	v36 =	vbroadcast v30, $0xF;
	v10 =	vmax.bf16 v10, v22;
	v22 =	vld [tilespmem:$0x1FE60]  }
0xf3: {  	v30 =	vor.u32 v1, v62;
	v11 =	vmax.bf16 v11, v24;
	v24 =	vld.idx.msk [tilespmem:v17+s2+$0x0], $0xffff;
	v17 =	vor.u32 v0, v37  }
0xf4: {  	v37 =	vor.u32 v0, v62;
	v62 =	vor.u32 v1, v9;
	v9 =	vmax.bf16 v12, v21;
	v21 =	vld [tilespmem:$0x1FE50]  }
0xf5: {  	v49 =	vor.u32 v1, v47;
	v18 =	vld.idx.msk [tilespmem:v18+s2+$0x0], $0xffff;
	v4 =	vmax.bf16 v4, v5  }
0xf6: {  	v54 =	vor.u32 v0, v47;
	v47 =	vor.u32 v0, v27;
	v34 =	vmax.bf16 v4, v34;
	v4 =	vld.idx.msk [tilespmem:v14+s2+$0x0], $0xffff  }
0xf7: {  	v52 =	vor.u32 v1, v27;
	v27 =	vbroadcast v31, $0xD;
	v20 =	vmax.bf16 v23, v20;
	v23 =	vld [tilespmem:$0x1FE80]  }
0xf8: {  	v15 =	vmax.bf16 v20, v15;
	v20 =	vld.idx.msk [tilespmem:v60+s2+$0x0], $0xffff  }
0xf9: {  	v3 =	vor.u32 v1, v33;
	v61 =	vor.u32 v0, v27;
	v21 =	vmax.bf16 v21, v22;
	v22 =	vld [tilespmem:$0x1FE70]  }
0xfa: {  	v5 =	vor.u32 v1, v27;
	v27 =	vor.u32 v0, v33;
	v33 =	vbroadcast v31, $0xF;
	v60 =	vld [tilespmem:$0x1FF10]  }
0xfb: {  	v55 =	vor.u32 v1, v25;
	v4 =	vmax.bf16 v34, v4;
	v34 =	vld.idx.msk [tilespmem:v35+s2+$0x0], $0xffff  }
0xfc: {  	v58 =	vor.u32 v0, v25;
	v25 =	vbroadcast v31, $0xE;
	v31 =	vor.u32 v0, v33;
	v12 =	vld.idx.msk [tilespmem:v32+s2+$0x0], $0xffff  }
0xfd: {  	v35 =	vor.u32 v1, v33;
	v33 =	vor.u32 v0, v36;
	v32 =	vor.u32 v1, v36;
	v36 =	vld [tilespmem:$0x1FEA0]  }
0xfe: {  	v22 =	vmax.bf16 v22, v23;
	v23 =	vld [tilespmem:$0x1FE90]  }
0xff: {  	v21 =	vmax.bf16 v21, v60;
	v60 =	vld [tilespmem:$0x1FF20]  }
0x100: {  	v10 =	vmax.bf16 v10, v18;
	v18 =	vld.idx.msk [tilespmem:v63+s2+$0x0], $0xffff  }
0x101: {  	v63 =	vld [tilespmem:$0x1FFA0]  }
0x102: {  	v11 =	vmax.bf16 v11, v24;
	v24 =	vld [tilespmem:$0x1FEB0]  }
0x103: {  	v23 =	vmax.bf16 v23, v36;
	v36 =	vld [tilespmem:$0x1FEC0]  }
0x104: {  	v22 =	vmax.bf16 v22, v60;
	v60 =	vld [tilespmem:$0x1FF30];
	_ =	sdelay $0x3  }
0x105: {  	s15 =	sadd.s32 $0xFFFFFFC0, s11;
	v24 =	vmax.bf16 v24, v36  }
0x106: {  	v24 =	vmax.bf16 v24, v60;
	v60 =	vor.u32 s15, v63;
	v63 =	vld [tilespmem:$0x1FF40]  }
0x107: {  	v6 =	vld.idx.msk [tilespmem:v6+s2+$0x0], $0xffff;
	_ =	sdelay $0x1  }
0x108: {  	v19 =	vld.idx.msk [tilespmem:v19+s2+$0x0], $0xffff  }
0x109: {  	v16 =	vld.idx.msk [tilespmem:v16+s2+$0x0], $0xffff  }
0x10a: {  	s16 =	sadd.s32 $0xFFFFFFA0, s11;
	v2 =	vld.idx.msk [tilespmem:v2+s2+$0x0], $0xffff;
	v4 =	vmax.bf16 v4, v34  }
0x10b: {  	v4 =	vmax.bf16 v4, v6;
	v6 =	vld.idx.msk [tilespmem:v45+s2+$0x0], $0xffff;
	v9 =	vmax.bf16 v9, v12;
	v12 =	vor.u32 s16, v1  }
0x10c: {  	v45 =	vmov v12;
	v12 =	vmax.bf16 v15, v20;
	v20 =	vld [tilespmem:$0x1FF80]  }
0x10d: {  	[tilespmem:v63+s9+$0x0] =	vst.idx.msk $0xffff, v23;
	v63 =	vld [tilespmem:$0x1FFC0];
	_ =	sdelay $0x2  }
0x10e: {  	v19 =	vmax.bf16 v26, v19;
	v26 =	vld [tilespmem:$0x1FED0]  }
0x10f: {  	s14 =	sadd.s32 $0xFFFFFFE0, s11;
	v16 =	vmax.bf16 v19, v16;
	v19 =	vld.idx.msk [tilespmem:v54+s2+$0x0], $0xffff  }
0x110: {  	v54 =	vor.u32 s14, v63;
	v63 =	vld [tilespmem:$0x1FF50]  }
0x111: {  	v15 =	vld.idx.msk [tilespmem:v43+s2+$0x0], $0xffff  }
0x112: {  	v36 =	vld [tilespmem:$0x1FEE0]  }
0x113: {  	[tilespmem:v20+s9+$0x0] =	vst.idx.msk $0xffff, v22;
	v20 =	vld [tilespmem:$0x1FF90];
	_ =	sdelay $0x3  }
0x114: {  	v8 =	vld.idx.msk [tilespmem:v8+s2+$0x0], $0xffff;
	v26 =	vmax.bf16 v26, v36  }
0x115: {  	[tilespmem:v63+s9+$0x0] =	vst.idx.msk $0xffff, v26;
	v63 =	vld [tilespmem:$0x1FF60]  }
0x116: {  	v34 =	vld [tilespmem:$0x1FEF0]  }
0x117: {  	v36 =	vld [tilespmem:$0x1FF00]  }
0x118: {  	[tilespmem:v20+s9+$0x0] =	vst.idx.msk $0xffff, v24  }
0x119: {  	v4 =	vmax.bf16 v4, v6;
	v6 =	vld.idx.msk [tilespmem:v41+s2+$0x0], $0xffff  }
0x11a: {  	v8 =	vmax.bf16 v11, v8;
	v11 =	vld.idx.msk [tilespmem:v49+s2+$0x0], $0xffff  }
0x11b: {  	v49 =	vld [tilespmem:$0x1FFD0]  }
0x11c: {  	v12 =	vmax.bf16 v12, v15;
	v15 =	vld.idx.msk [tilespmem:v39+s2+$0x0], $0xffff;
	v34 =	vmax.bf16 v34, v36  }
0x11d: {  	[tilespmem:v63+s9+$0x0] =	vst.idx.msk $0xffff, v34;
	v63 =	vld [tilespmem:$0x1FF70]  }
0x11e: {  	v4 =	vmax.bf16 v4, v6;
	v6 =	vld.idx.msk [tilespmem:v46+s2+$0x0], $0xffff  }
0x11f: {  	v7 =	vld.idx.msk [tilespmem:v7+s2+$0x0], $0xffff  }
0x120: {  	v10 =	vmax.bf16 v10, v18;
	v18 =	vld.idx.msk [tilespmem:v44+s2+$0x0], $0xffff  }
0x121: {  	v12 =	vmax.bf16 v12, v15;
	v15 =	vld.idx.msk [tilespmem:v51+s2+$0x0], $0xffff  }
0x122: {  	v23 =	vld [tilespmem:$0x1FFB0]  }
0x123: {  	v4 =	vmax.bf16 v4, v6;
	v6 =	vld.idx.msk [tilespmem:v58+s2+$0x0], $0xffff  }
0x124: {  	v2 =	vmax.bf16 v9, v2;
	v9 =	vld.idx.msk [tilespmem:v38+s2+$0x0], $0xffff  }
0x125: {  	v10 =	vmax.bf16 v10, v18;
	v18 =	vld.idx.msk [tilespmem:v47+s2+$0x0], $0xffff;
	[tilespmem:v63+s9+$0x0] =	vst.idx.msk $0xffff, v21  }
0x126: {  	v16 =	vmax.bf16 v16, v19;
	v19 =	vld.idx.msk [tilespmem:v42+s2+$0x0], $0xffff  }
0x127: {  	v8 =	vmax.bf16 v8, v11;
	v11 =	vld.idx.msk [tilespmem:v40+s2+$0x0], $0xffff  }
0x128: {  	v12 =	vmax.bf16 v12, v15;
	v15 =	vld.idx.msk [tilespmem:v55+s2+$0x0], $0xffff  }
0x129: {  	v2 =	vmax.bf16 v2, v9;
	v9 =	vld.idx.msk [tilespmem:v52+s2+$0x0], $0xffff  }
0x12a: {  	v10 =	vmax.bf16 v10, v18;
	v18 =	vld.idx.msk [tilespmem:v57+s2+$0x0], $0xffff  }
0x12b: {  	v16 =	vmax.bf16 v16, v19;
	v19 =	vld.idx.msk [tilespmem:v48+s2+$0x0], $0xffff  }
0x12c: {  	v8 =	vmax.bf16 v8, v11;
	v11 =	vld.idx.msk [tilespmem:v50+s2+$0x0], $0xffff  }
0x12d: {  	v20 =	vld.idx.msk [tilespmem:v5+s2+$0x0], $0xffff  }
0x12e: {  	v2 =	vmax.bf16 v2, v9;
	v9 =	vld.idx.msk [tilespmem:v53+s2+$0x0], $0xffff  }
0x12f: {  	v14 =	vor.u32 v0, v25;
	v10 =	vmax.bf16 v10, v18;
	v18 =	vld.idx.msk [tilespmem:v61+s2+$0x0], $0xffff  }
0x130: {  	v16 =	vmax.bf16 v16, v19;
	v19 =	vld.idx.msk [tilespmem:v59+s2+$0x0], $0xffff  }
0x131: {  	s12 =	sadd.s32 $0x4, s12;
	v8 =	vmax.bf16 v8, v11;
	v11 =	vld.idx.msk [tilespmem:v56+s2+$0x0], $0xffff  }
0x132: {  	p0 =	slt.u32 s12, $0x63C;
	v25 =	vor.u32 v1, v25;
	v36 =	vor.u32 s16, v0;
	v23 =	vor.u32 s15, v23;
	v21 =	vld.idx.msk [tilespmem:v27+s2+$0x0], $0xffff  }
.Ltmp0:
0x133: {  	v5 =	vmax.bf16 v4, v6;
	v4 =	vld.idx.msk [tilespmem:v13+s2+$0x0], $0xffff;
	(pc) =	sbr.rel @p0 .LBB2_2-.Ltmp0, $4  }
0x134: {  	v26 =	vor.u32 s14, v49;
	v6 =	vmax.bf16 v12, v15;
	v15 =	vld.idx.msk [tilespmem:v14+s2+$0x0], $0xffff  }
0x135: {  	v22 =	vmovc v54;
	v49 =	vmovc v36;
	v36 =	vmov v60;
	v34 =	vmov v23;
	v23 =	vmov v26;
	v3 =	vld.idx.msk [tilespmem:v3+s2+$0x0], $0xffff  }
0x136: {  	v9 =	vmax.bf16 v2, v9;
	v14 =	vld.idx.msk [tilespmem:v17+s2+$0x0], $0xffff;
	v19 =	vmax.bf16 v16, v19;
	v2 =	vmax.bf16 v8, v11  }
0x137: {  	s13 =	sadd.s32 $0x40, s13;
	v8 =	vmax.bf16 v10, v18;
	v16 =	vmax.bf16 v9, v20;
	v18 =	vld.idx.msk [tilespmem:v25+s2+$0x0], $0xffff;
	v9 =	vmax.bf16 v19, v21  }
0x138: {  	_ =	sdelay $0x3  }
0x139: {  	v10 =	vld.idx.msk [tilespmem:v29+s2+$0x0], $0xffff  }
0x13a: {  	v11 =	vld.idx.msk [tilespmem:v37+s2+$0x0], $0xffff  }
0x13b: {  	v12 =	vld.idx.msk [tilespmem:v30+s2+$0x0], $0xffff  }
0x13c: {  	v13 =	vld.idx.msk [tilespmem:v31+s2+$0x0], $0xffff  }
0x13d: {  	v19 =	vld.idx.msk [tilespmem:v28+s2+$0x0], $0xffff  }
0x13e: {  	v17 =	vld.idx.msk [tilespmem:v35+s2+$0x0], $0xffff  }
0x13f: {  	v20 =	vld.idx.msk [tilespmem:v62+s2+$0x0], $0xffff  }
0x140: {  	v59 =	vld.idx.msk [tilespmem:v33+s2+$0x0], $0xffff;
	v6 =	vmax.bf16 v6, v7;
	v58 =	vmax.bf16 v8, v15;
	v2 =	vmax.bf16 v2, v3  }
0x141: {  	v61 =	vld.idx.msk [tilespmem:v32+s2+$0x0], $0xffff;
	v3 =	vmax.bf16 v5, v4;
	v9 =	vmax.bf16 v9, v14;
	v4 =	vmax.bf16 v58, v13  }
0x142: {  	v60 =	vmax.bf16 v16, v18;
	v62 =	vmax.bf16 v9, v19;
	[tilespmem:v49+s9+$0x0] =	vst.idx.msk $0xffff, v4  }
0x143: {  	v7 =	vmax.bf16 v60, v17;
	v2 =	vmax.bf16 v2, v10;
	[tilespmem:v36+s9+$0x0] =	vst.idx.msk $0xffff, v62  }
0x144: {  	v3 =	vmax.bf16 v3, v11;
	v2 =	vmax.bf16 v2, v20;
	[tilespmem:v45+s9+$0x0] =	vst.idx.msk $0xffff, v7  }
0x145: {  	v63 =	vmax.bf16 v6, v12;
	v3 =	vmax.bf16 v3, v59;
	[tilespmem:v34+s9+$0x0] =	vst.idx.msk $0xffff, v2  }
0x146: {  	v2 =	vmax.bf16 v63, v61;
	[tilespmem:v22+s9+$0x0] =	vst.idx.msk $0xffff, v3  }
0x147: {  	s10 =	sadd.s32 $0x1, s10;
	[tilespmem:v23+s9+$0x0] =	vst.idx.msk $0xffff, v2  }
0x148: {  	[hbm4b:s5+s2] =	stream.linear.scatter [tilespmem:s9], [sflag:$0x1], $0xC800, $0x38;
	[tilespmem:$0x1A900] =	vst v63  }
0x149: {  	p0 =	sne.s32 s10, s6;
	_ =	swait.ge [sflag:s7], $0xC800  }
.Ltmp1:
0x14a: {  	v52 =	vld [tilespmem:$0x1FFB0];
	(pc) =	sbr.rel @p0 .LBB2_1-.Ltmp1, $4  }
0x14b: {  	v53 =	vld [tilespmem:$0x1FFC0]  }
0x14c: {  	v54 =	vld [tilespmem:$0x1FFD0]  }
0x14d: {  	[sflag:s7] =	ssyncset.done $0x0;
	v55 =	vld [tilespmem:$0x1FFE0]  }
0x14e: {  	v56 =	vld [tilespmem:$0x1FFF0];
	[sflag:s7] =	ssyncadd.s32 $0xFFFF3800  }
0x14f: {  	_ =	sfence.sel $0x180000  }
0x150: {  	[bflag:$0x0] =	sbarrier.arrive $0xFFFF  }
0x151: {  	p0 =	sne.s32 s0, $0x0;
	_ =	strace $0x90000047  }
0x152: {  	s0 =	sadd.s32 @!p0 $0x100000, s1;
	[bflag:$0x2] =	sbarrier.arrive $0xFFFF  }
0x153: {  	[sflag:s0] =	ssyncadd.tile.s32 @!p0 $0x1;
	_ =	shalt  }
.Lfunc_end2:
_tile_overlayer_lowered:
.L_overlay_start_2:
0x154: {  	(tag) =	ssettag $0x2  }
0x155: {  	s0 =	rddreg [dreg:$0x0];
	s2 =	stileid.u32  }
0x156: {  	s1 =	rddreg [dreg:$0x1];
	p0 =	sne.s32 s2, $0x0  }
0x157: {  	s3 =	rddreg [dreg:$0x2];
	[bflag:$0x3] =	sbarrier.arrive $0xFFFF;
	s2 =	simm.s32 @!p0 $0x1C01  }
0x158: {  	[timem:s3], [sflag:s2] =	dma.local @!p0 [hbm:s0], s1  }
0x159: {  	s0 =	simm.s32 @!p0 $0x1  }
0x15a: {  	_ =	swait.ge @!p0 [sflag:s0], s1  }
0x15b: {  	s1 =	ssub.s32 @!p0 $0x0, s1;
	[sflag:s0] =	ssyncset.done @!p0 $0x0  }
0x15c: {  	[sflag:s0] =	ssyncadd.s32 @!p0 s1  }
0x15d: {  	[bflag:$0x3] =	sbarrier.arrive $0xFFFF  }
0x15e: {  	_ =	shalt  }

</sc_bundles>
